<compile_context>
chip_gen: v7x
topology: tpu7x:2x2x1
jax: 0.10.2.dev20260603
libtpu: 0.0.44.dev20260713+nightly
codegen_flags: <defaults>
</compile_context>

<pallas_src>
import jax
import jax.numpy as jnp
from jax import lax
from jax.experimental import pallas as pl
from jax.experimental.pallas import tpu as pltpu
from jax.experimental.pallas import tpu_sc as plsc

_Q = 0.9
_B = 128
_V = 100000
_L = 16
_NG = _B // _L
_CROWS = 200
_VSC = 70400
_TROWS = 800
_NCHUNK = _VSC // _CROWS
_NW = 32
_CBASE = _NCHUNK // _NW
_CEXTRA = _NCHUNK - _CBASE * _NW
_NPAIR = (_CBASE + 1) // 2


def _sc_body(xt_hbm, out_hbm, bufa, bufb, l01, acc, part, sema, semb):
    w = lax.axis_index("s") * 2 + lax.axis_index("c")
    cstart = w * _CBASE + jnp.minimum(w, _CEXTRA)
    ccount = _CBASE + jnp.where(w < _CEXTRA, 1, 0)

    def start(ci, buf, sem):
        row0 = (cstart + ci) * _CROWS
        pltpu.make_async_copy(
            xt_hbm.at[pl.ds(row0, _CROWS), :], buf, sem).start()

    def wait(buf, sem):
        pltpu.make_async_copy(
            xt_hbm.at[pl.ds(0, _CROWS), :], buf, sem).wait()

    start(0, bufa, sema)
    pltpu.sync_copy(xt_hbm.at[pl.ds(0, 8), :], l01)
    l1 = [l01[1, pl.ds(g * _L, _L)] for g in range(_NG)]
    l0 = [l01[0, pl.ds(g * _L, _L)] for g in range(_NG)]

    own0 = (w == 0).astype(jnp.float32)
    for g in range(_NG):
        e1 = jnp.exp(l1[g])
        corr = jnp.where(l0[g] == l1[g], 2.0 * e1, e1)
        acc[0, pl.ds(g * _L, _L)] = jnp.zeros((_L,), jnp.float32)
        acc[1, pl.ds(g * _L, _L)] = own0 * corr

    def consume(buf):
        zero = jnp.zeros((_L,), jnp.float32)

        def row_body(r, carry2):
            z2, s2 = carry2
            z3, s3 = [], []
            for g in range(_NG):
                x = buf[r, pl.ds(g * _L, _L)]
                e = jnp.exp(x)
                z3.append(z2[g] + e)
                s3.append(s2[g] + jnp.where(x > l1[g], e, 0.0))
            return z3, s3

        z, s = lax.fori_loop(0, _CROWS, row_body, ([zero] * _NG, [zero] * _NG))
        for g in range(_NG):
            acc[0, pl.ds(g * _L, _L)] = acc[0, pl.ds(g * _L, _L)] + z[g]
            acc[1, pl.ds(g * _L, _L)] = acc[1, pl.ds(g * _L, _L)] + s[g]

    def pair_body(p, _):
        i1 = 2 * p + 1
        i2 = 2 * p + 2

        @pl.when(i1 < ccount)
        def _():
            start(i1, bufb, semb)

        wait(bufa, sema)
        consume(bufa)

        @pl.when(i2 < ccount)
        def _():
            start(i2, bufa, sema)

        @pl.when(i1 < ccount)
        def _():
            wait(bufb, semb)
            consume(bufb)

        return 0

    lax.fori_loop(0, _NPAIR, pair_body, 0)

    for g in range(_NG):
        part[0, pl.ds(g * _L, _L)] = acc[0, pl.ds(g * _L, _L)]
        part[1, pl.ds(g * _L, _L)] = acc[1, pl.ds(g * _L, _L)]
    pltpu.sync_copy(part, out_hbm.at[w])


def _tc_body(l01_ref, x_ref, o_ref):
    i = pl.program_id(0)
    x = x_ref[...]
    l1 = l01_ref[1:2, :]
    e = jnp.exp(x)
    z = jnp.sum(e, axis=0, keepdims=True)
    s = jnp.sum(jnp.where(x > l1, e, 0.0), axis=0, keepdims=True)
    zs = jnp.concatenate([z, s], axis=0)

    @pl.when(i == 0)
    def _():
        o_ref[...] = zs

    @pl.when(i > 0)
    def _():
        o_ref[...] = o_ref[...] + zs


@jax.jit
def kernel(logits):
    k = pl.kernel(
        _sc_body,
        out_type=jax.ShapeDtypeStruct((_NW, 2, _B), jnp.float32),
        mesh=plsc.VectorSubcoreMesh(core_axis_name="c", subcore_axis_name="s"),
        scratch_types=[
            pltpu.VMEM((_CROWS, _B), jnp.float32),
            pltpu.VMEM((_CROWS, _B), jnp.float32),
            pltpu.VMEM((8, _B), jnp.float32),
            pltpu.VMEM((2, _B), jnp.float32),
            pltpu.VMEM((2, _B), jnp.float32),
            pltpu.SemaphoreType.DMA,
            pltpu.SemaphoreType.DMA,
        ],
        compiler_params=pltpu.CompilerParams(
            needs_layout_passes=False, use_tc_tiling_on_sc=True),
    )
    xt = logits.T
    o = k(xt)
    o_tc = pl.pallas_call(
        _tc_body,
        grid=((_V - _VSC) // _TROWS,),
        in_specs=[
            pl.BlockSpec((8, _B), lambda i: (0, 0)),
            pl.BlockSpec((_TROWS, _B), lambda i: (i + _VSC // _TROWS, 0)),
        ],
        out_specs=pl.BlockSpec((2, _B), lambda i: (0, 0)),
        out_shape=jax.ShapeDtypeStruct((2, _B), jnp.float32),
    )(xt, xt)
    tot = jnp.sum(o, axis=0) + o_tc
    preds = (tot[1] <= _Q * tot[0]).reshape(_B, 1)
    return preds, ~preds

# --- scband reference (transcript-rebuilt; emitter-appended) ---
"""Pipeline reference for scband-aps-65584150610449 (READ-ONLY COPY).

The authoritative reference and input builder live on the scoring server;
editing this copy changes nothing except your own understanding.
"""

import jax, jax.numpy as jnp
import numpy as np

QUARTILE = 0.9  # stands in for self.quartile, which the torch module sets via fit()
TOPK = 1

def setup_inputs(seed: int = 0) -> dict:
    key = jax.random.key(seed)
    logits = jax.random.normal(key, (128, 100000), dtype=jnp.float32)
    return {"logits": logits}

def reference(logits):
    # scoring_function with label=None
    score = jax.nn.softmax(logits, axis=1)
    idx = jnp.argsort(-score, axis=1)  # descending argsort
    score_sort = jnp.take_along_axis(score, idx, axis=1)
    score_cumsum = jnp.cumsum(score_sort, axis=1)
    inv = jnp.argsort(idx, axis=1)
    mask = score_cumsum <= QUARTILE
    preds = jnp.take_along_axis(mask, inv, axis=1)[:, TOPK:TOPK + 1]  # [:, tensor([topk])] -> shape [B, 1]
    return preds, preds < QUARTILE

if __name__ == "__main__":
    import jax
    _d = setup_inputs()
    print(jax.jit(kernel)(*tuple(_d.values())))

</pallas_src>

<mosaic_0001>
#map = affine_map<(d0, d1) -> (0, 0)>
#map1 = affine_map<(d0, d1) -> (0, 0, 0)>
module attributes {stable_mosaic.version = 14 : i64} {
  func.func @_sc_body(%arg0: i32, %arg1: i32, %arg2: memref<100000x128xf32, #tpu.memory_space<hbm>>, %arg3: memref<32x2x128xf32, #tpu.memory_space<hbm>>, %arg4: memref<200x128xf32, #tpu.memory_space<vmem>>, %arg5: memref<200x128xf32, #tpu.memory_space<vmem>>, %arg6: memref<8x128xf32, #tpu.memory_space<vmem>>, %arg7: memref<2x128xf32, #tpu.memory_space<vmem>>, %arg8: memref<2x128xf32, #tpu.memory_space<vmem>>, %arg9: memref<!tpu.dma_semaphore, #tpu.memory_space<semaphore_mem>>, %arg10: memref<!tpu.dma_semaphore, #tpu.memory_space<semaphore_mem>>) attributes {dimension_semantics = [#tpu.dimension_semantics<core_parallel>, #tpu.dimension_semantics<subcore_parallel>], iteration_bounds = array<i64: 2, 16>, scalar_prefetch = 0 : i64, scratch_operands = 7 : i64, tpu.core_type = #tpu.core_type<sc_vector_subcore>, window_params = [{transform_indices = #map}, {transform_indices = #map1}]} {
    %mul3A = arith.constant 2 : i32
    %mul3A_0 = arith.muli %arg1, %mul3A : i32
    %add3A = arith.addi %mul3A_0, %arg0 : i32
    %mul3A_1 = arith.constant 11 : i32
    %mul3A_2 = arith.muli %add3A, %mul3A_1 : i32
    %min3A = arith.constant 0 : i32
    %min3A_3 = arith.minsi %add3A, %min3A : i32
    %add3A_4 = arith.addi %mul3A_2, %min3A_3 : i32
    %lt3A = arith.constant 0 : i32
    %lt3A_5 = arith.cmpi slt, %add3A, %lt3A : i32
    %jit3A = arith.constant 1 : i32
    %jit3A_6 = arith.constant 0 : i32
    %select_n3A = arith.select %lt3A_5, %jit3A, %jit3A_6 : i32
    %add3A_7 = arith.constant 11 : i32
    %add3A_8 = arith.addi %add3A_7, %select_n3A : i32
    %add3A_9 = arith.constant 0 : i32
    %add3A_10 = arith.addi %add3A_4, %add3A_9 : i32
    %mul3A_11 = arith.constant 200 : i32
    %mul3A_12 = arith.muli %add3A_10, %mul3A_11 : i32
    %dma_start3A = arith.constant 0 : i32
    %dma_start3A_13 = tpu.memref_slice %arg2[%mul3A_12, %dma_start3A] : memref<100000x128xf32, #tpu.memory_space<hbm>> -> memref<200x128xf32, #tpu.memory_space<hbm>>
    %dma_start3A_14 = arith.constant 0 : i32
    %dma_start3A_15 = tpu.memref_slice %arg2[%mul3A_12, %dma_start3A_14] : memref<100000x128xf32, #tpu.memory_space<hbm>> -> memref<200x128xf32, #tpu.memory_space<hbm>>
    tpu.enqueue_dma source(%dma_start3A_15 : memref<200x128xf32, #tpu.memory_space<hbm>>) target(%arg4 : memref<200x128xf32, #tpu.memory_space<vmem>>) target_semaphore(%arg9 : memref<!tpu.dma_semaphore, #tpu.memory_space<semaphore_mem>>)
    "tpu.region"() ({
      %run_scoped3A = tpu.sem_alloc : memref<!tpu.dma_semaphore, #tpu.memory_space<semaphore_mem>>
      %dma_start3A_356 = arith.constant 0 : i32
      %dma_start3A_357 = arith.constant 0 : i32
      %dma_start3A_358 = tpu.memref_slice %arg2[%dma_start3A_356, %dma_start3A_357] : memref<100000x128xf32, #tpu.memory_space<hbm>> -> memref<8x128xf32, #tpu.memory_space<hbm>>
      %dma_start3A_359 = arith.constant 0 : i32
      %dma_start3A_360 = arith.constant 0 : i32
      %dma_start3A_361 = tpu.memref_slice %arg2[%dma_start3A_359, %dma_start3A_360] : memref<100000x128xf32, #tpu.memory_space<hbm>> -> memref<8x128xf32, #tpu.memory_space<hbm>>
      tpu.enqueue_dma source(%dma_start3A_361 : memref<8x128xf32, #tpu.memory_space<hbm>>) target(%arg6 : memref<8x128xf32, #tpu.memory_space<vmem>>) target_semaphore(%run_scoped3A : memref<!tpu.dma_semaphore, #tpu.memory_space<semaphore_mem>>)
      %dma_wait3A = arith.constant 0 : i32
      %dma_wait3A_362 = arith.constant 0 : i32
      %dma_wait3A_363 = tpu.memref_slice %arg2[%dma_wait3A, %dma_wait3A_362] : memref<100000x128xf32, #tpu.memory_space<hbm>> -> memref<8x128xf32, #tpu.memory_space<hbm>>
      %dma_wait3A_364 = arith.constant 0 : i32
      %dma_wait3A_365 = arith.constant 0 : i32
      %dma_wait3A_366 = tpu.memref_slice %arg2[%dma_wait3A_364, %dma_wait3A_365] : memref<100000x128xf32, #tpu.memory_space<hbm>> -> memref<8x128xf32, #tpu.memory_space<hbm>>
      tpu.wait_dma2 semaphore(%run_scoped3A : memref<!tpu.dma_semaphore, #tpu.memory_space<semaphore_mem>>) src(%dma_wait3A_366 : memref<8x128xf32, #tpu.memory_space<hbm>>) dst(%arg6 : memref<8x128xf32, #tpu.memory_space<vmem>>)
      tpu.yield
    }) : () -> ()
    %get3A = arith.constant 1 : i32
    %get3A_16 = arith.index_cast %get3A : i32 to index
    %get3A_17 = arith.constant 0 : index
    %get3A_18 = tpu.vector_load %arg6[%get3A_16, %get3A_17] {strides = array<i32>} : memref<8x128xf32, #tpu.memory_space<vmem>>, vector<16xf32>,
    %get3A_19 = arith.constant 1 : i32
    %get3A_20 = arith.index_cast %get3A_19 : i32 to index
    %get3A_21 = arith.constant 16 : index
    %get3A_22 = tpu.vector_load %arg6[%get3A_20, %get3A_21] {strides = array<i32>} : memref<8x128xf32, #tpu.memory_space<vmem>>, vector<16xf32>,
    %get3A_23 = arith.constant 1 : i32
    %get3A_24 = arith.index_cast %get3A_23 : i32 to index
    %get3A_25 = arith.constant 32 : index
    %get3A_26 = tpu.vector_load %arg6[%get3A_24, %get3A_25] {strides = array<i32>} : memref<8x128xf32, #tpu.memory_space<vmem>>, vector<16xf32>,
    %get3A_27 = arith.constant 1 : i32
    %get3A_28 = arith.index_cast %get3A_27 : i32 to index
    %get3A_29 = arith.constant 48 : index
    %get3A_30 = tpu.vector_load %arg6[%get3A_28, %get3A_29] {strides = array<i32>} : memref<8x128xf32, #tpu.memory_space<vmem>>, vector<16xf32>,
    %get3A_31 = arith.constant 1 : i32
    %get3A_32 = arith.index_cast %get3A_31 : i32 to index
    %get3A_33 = arith.constant 64 : index
    %get3A_34 = tpu.vector_load %arg6[%get3A_32, %get3A_33] {strides = array<i32>} : memref<8x128xf32, #tpu.memory_space<vmem>>, vector<16xf32>,
    %get3A_35 = arith.constant 1 : i32
    %get3A_36 = arith.index_cast %get3A_35 : i32 to index
    %get3A_37 = arith.constant 80 : index
    %get3A_38 = tpu.vector_load %arg6[%get3A_36, %get3A_37] {strides = array<i32>} : memref<8x128xf32, #tpu.memory_space<vmem>>, vector<16xf32>,
    %get3A_39 = arith.constant 1 : i32
    %get3A_40 = arith.index_cast %get3A_39 : i32 to index
    %get3A_41 = arith.constant 96 : index
    %get3A_42 = tpu.vector_load %arg6[%get3A_40, %get3A_41] {strides = array<i32>} : memref<8x128xf32, #tpu.memory_space<vmem>>, vector<16xf32>,
    %get3A_43 = arith.constant 1 : i32
    %get3A_44 = arith.index_cast %get3A_43 : i32 to index
    %get3A_45 = arith.constant 112 : index
    %get3A_46 = tpu.vector_load %arg6[%get3A_44, %get3A_45] {strides = array<i32>} : memref<8x128xf32, #tpu.memory_space<vmem>>, vector<16xf32>,
    %get3A_47 = arith.constant 0 : i32
    %get3A_48 = arith.index_cast %get3A_47 : i32 to index
    %get3A_49 = arith.constant 0 : index
    %get3A_50 = tpu.vector_load %arg6[%get3A_48, %get3A_49] {strides = array<i32>} : memref<8x128xf32, #tpu.memory_space<vmem>>, vector<16xf32>,
    %get3A_51 = arith.constant 0 : i32
    %get3A_52 = arith.index_cast %get3A_51 : i32 to index
    %get3A_53 = arith.constant 16 : index
    %get3A_54 = tpu.vector_load %arg6[%get3A_52, %get3A_53] {strides = array<i32>} : memref<8x128xf32, #tpu.memory_space<vmem>>, vector<16xf32>,
    %get3A_55 = arith.constant 0 : i32
    %get3A_56 = arith.index_cast %get3A_55 : i32 to index
    %get3A_57 = arith.constant 32 : index
    %get3A_58 = tpu.vector_load %arg6[%get3A_56, %get3A_57] {strides = array<i32>} : memref<8x128xf32, #tpu.memory_space<vmem>>, vector<16xf32>,
    %get3A_59 = arith.constant 0 : i32
    %get3A_60 = arith.index_cast %get3A_59 : i32 to index
    %get3A_61 = arith.constant 48 : index
    %get3A_62 = tpu.vector_load %arg6[%get3A_60, %get3A_61] {strides = array<i32>} : memref<8x128xf32, #tpu.memory_space<vmem>>, vector<16xf32>,
    %get3A_63 = arith.constant 0 : i32
    %get3A_64 = arith.index_cast %get3A_63 : i32 to index
    %get3A_65 = arith.constant 64 : index
    %get3A_66 = tpu.vector_load %arg6[%get3A_64, %get3A_65] {strides = array<i32>} : memref<8x128xf32, #tpu.memory_space<vmem>>, vector<16xf32>,
    %get3A_67 = arith.constant 0 : i32
    %get3A_68 = arith.index_cast %get3A_67 : i32 to index
    %get3A_69 = arith.constant 80 : index
    %get3A_70 = tpu.vector_load %arg6[%get3A_68, %get3A_69] {strides = array<i32>} : memref<8x128xf32, #tpu.memory_space<vmem>>, vector<16xf32>,
    %get3A_71 = arith.constant 0 : i32
    %get3A_72 = arith.index_cast %get3A_71 : i32 to index
    %get3A_73 = arith.constant 96 : index
    %get3A_74 = tpu.vector_load %arg6[%get3A_72, %get3A_73] {strides = array<i32>} : memref<8x128xf32, #tpu.memory_space<vmem>>, vector<16xf32>,
    %get3A_75 = arith.constant 0 : i32
    %get3A_76 = arith.index_cast %get3A_75 : i32 to index
    %get3A_77 = arith.constant 112 : index
    %get3A_78 = tpu.vector_load %arg6[%get3A_76, %get3A_77] {strides = array<i32>} : memref<8x128xf32, #tpu.memory_space<vmem>>, vector<16xf32>,
    %eq3A = arith.constant 0 : i32
    %eq3A_79 = arith.cmpi eq, %add3A, %eq3A : i32
    %convert_element_type3A = arith.extui %eq3A_79 : i1 to i32
    %convert_element_type3A_80 = arith.sitofp %convert_element_type3A : i32 to f32
    %exp3A = math.exp %get3A_18 : vector<16xf32>
    %eq3A_81 = arith.cmpf oeq, %get3A_50, %get3A_18 : vector<16xf32>
    %mul3A_82 = arith.constant 2.000000e+00 : f32
    %mul3A_83 = vector.broadcast %mul3A_82 : f32 to vector<16xf32>
    %mul3A_84 = arith.mulf %mul3A_83, %exp3A : vector<16xf32>
    %select_n3A_85 = arith.select %eq3A_81, %mul3A_84, %exp3A : vector<16xi1>, vector<16xf32>
    %broadcast_in_dim3A = arith.constant 0.000000e+00 : f32
    %broadcast_in_dim3A_86 = vector.broadcast %broadcast_in_dim3A : f32 to vector<16xf32>
    %swap3A = arith.constant 0 : i32
    %swap3A_87 = arith.index_cast %swap3A : i32 to index
    %swap3A_88 = arith.constant 0 : index
    %swap3A_89 = tpu.vector_load %arg7[%swap3A_87, %swap3A_88] {strides = array<i32>} : memref<2x128xf32, #tpu.memory_space<vmem>>, vector<16xf32>,
    tpu.vector_store %arg7[%swap3A_87, %swap3A_88], %broadcast_in_dim3A_86 {strides = array<i32>} : memref<2x128xf32, #tpu.memory_space<vmem>>, vector<16xf32>,
    %mul3A_90 = vector.broadcast %convert_element_type3A_80 : f32 to vector<16xf32>
    %mul3A_91 = arith.mulf %mul3A_90, %select_n3A_85 : vector<16xf32>
    %swap3A_92 = arith.constant 1 : i32
    %swap3A_93 = arith.index_cast %swap3A_92 : i32 to index
    %swap3A_94 = arith.constant 0 : index
    %swap3A_95 = tpu.vector_load %arg7[%swap3A_93, %swap3A_94] {strides = array<i32>} : memref<2x128xf32, #tpu.memory_space<vmem>>, vector<16xf32>,
    tpu.vector_store %arg7[%swap3A_93, %swap3A_94], %mul3A_91 {strides = array<i32>} : memref<2x128xf32, #tpu.memory_space<vmem>>, vector<16xf32>,
    %exp3A_96 = math.exp %get3A_22 : vector<16xf32>
    %eq3A_97 = arith.cmpf oeq, %get3A_54, %get3A_22 : vector<16xf32>
    %mul3A_98 = arith.constant 2.000000e+00 : f32
    %mul3A_99 = vector.broadcast %mul3A_98 : f32 to vector<16xf32>
    %mul3A_100 = arith.mulf %mul3A_99, %exp3A_96 : vector<16xf32>
    %select_n3A_101 = arith.select %eq3A_97, %mul3A_100, %exp3A_96 : vector<16xi1>, vector<16xf32>
    %broadcast_in_dim3A_102 = arith.constant 0.000000e+00 : f32
    %broadcast_in_dim3A_103 = vector.broadcast %broadcast_in_dim3A_102 : f32 to vector<16xf32>
    %swap3A_104 = arith.constant 0 : i32
    %swap3A_105 = arith.index_cast %swap3A_104 : i32 to index
    %swap3A_106 = arith.constant 16 : index
    %swap3A_107 = tpu.vector_load %arg7[%swap3A_105, %swap3A_106] {strides = array<i32>} : memref<2x128xf32, #tpu.memory_space<vmem>>, vector<16xf32>,
    tpu.vector_store %arg7[%swap3A_105, %swap3A_106], %broadcast_in_dim3A_103 {strides = array<i32>} : memref<2x128xf32, #tpu.memory_space<vmem>>, vector<16xf32>,
    %mul3A_108 = vector.broadcast %convert_element_type3A_80 : f32 to vector<16xf32>
    %mul3A_109 = arith.mulf %mul3A_108, %select_n3A_101 : vector<16xf32>
    %swap3A_110 = arith.constant 1 : i32
    %swap3A_111 = arith.index_cast %swap3A_110 : i32 to index
    %swap3A_112 = arith.constant 16 : index
    %swap3A_113 = tpu.vector_load %arg7[%swap3A_111, %swap3A_112] {strides = array<i32>} : memref<2x128xf32, #tpu.memory_space<vmem>>, vector<16xf32>,
    tpu.vector_store %arg7[%swap3A_111, %swap3A_112], %mul3A_109 {strides = array<i32>} : memref<2x128xf32, #tpu.memory_space<vmem>>, vector<16xf32>,
    %exp3A_114 = math.exp %get3A_26 : vector<16xf32>
    %eq3A_115 = arith.cmpf oeq, %get3A_58, %get3A_26 : vector<16xf32>
    %mul3A_116 = arith.constant 2.000000e+00 : f32
    %mul3A_117 = vector.broadcast %mul3A_116 : f32 to vector<16xf32>
    %mul3A_118 = arith.mulf %mul3A_117, %exp3A_114 : vector<16xf32>
    %select_n3A_119 = arith.select %eq3A_115, %mul3A_118, %exp3A_114 : vector<16xi1>, vector<16xf32>
    %broadcast_in_dim3A_120 = arith.constant 0.000000e+00 : f32
    %broadcast_in_dim3A_121 = vector.broadcast %broadcast_in_dim3A_120 : f32 to vector<16xf32>
    %swap3A_122 = arith.constant 0 : i32
    %swap3A_123 = arith.index_cast %swap3A_122 : i32 to index
    %swap3A_124 = arith.constant 32 : index
    %swap3A_125 = tpu.vector_load %arg7[%swap3A_123, %swap3A_124] {strides = array<i32>} : memref<2x128xf32, #tpu.memory_space<vmem>>, vector<16xf32>,
    tpu.vector_store %arg7[%swap3A_123, %swap3A_124], %broadcast_in_dim3A_121 {strides = array<i32>} : memref<2x128xf32, #tpu.memory_space<vmem>>, vector<16xf32>,
    %mul3A_126 = vector.broadcast %convert_element_type3A_80 : f32 to vector<16xf32>
    %mul3A_127 = arith.mulf %mul3A_126, %select_n3A_119 : vector<16xf32>
    %swap3A_128 = arith.constant 1 : i32
    %swap3A_129 = arith.index_cast %swap3A_128 : i32 to index
    %swap3A_130 = arith.constant 32 : index
    %swap3A_131 = tpu.vector_load %arg7[%swap3A_129, %swap3A_130] {strides = array<i32>} : memref<2x128xf32, #tpu.memory_space<vmem>>, vector<16xf32>,
    tpu.vector_store %arg7[%swap3A_129, %swap3A_130], %mul3A_127 {strides = array<i32>} : memref<2x128xf32, #tpu.memory_space<vmem>>, vector<16xf32>,
    %exp3A_132 = math.exp %get3A_30 : vector<16xf32>
    %eq3A_133 = arith.cmpf oeq, %get3A_62, %get3A_30 : vector<16xf32>
    %mul3A_134 = arith.constant 2.000000e+00 : f32
    %mul3A_135 = vector.broadcast %mul3A_134 : f32 to vector<16xf32>
    %mul3A_136 = arith.mulf %mul3A_135, %exp3A_132 : vector<16xf32>
    %select_n3A_137 = arith.select %eq3A_133, %mul3A_136, %exp3A_132 : vector<16xi1>, vector<16xf32>
    %broadcast_in_dim3A_138 = arith.constant 0.000000e+00 : f32
    %broadcast_in_dim3A_139 = vector.broadcast %broadcast_in_dim3A_138 : f32 to vector<16xf32>
    %swap3A_140 = arith.constant 0 : i32
    %swap3A_141 = arith.index_cast %swap3A_140 : i32 to index
    %swap3A_142 = arith.constant 48 : index
    %swap3A_143 = tpu.vector_load %arg7[%swap3A_141, %swap3A_142] {strides = array<i32>} : memref<2x128xf32, #tpu.memory_space<vmem>>, vector<16xf32>,
    tpu.vector_store %arg7[%swap3A_141, %swap3A_142], %broadcast_in_dim3A_139 {strides = array<i32>} : memref<2x128xf32, #tpu.memory_space<vmem>>, vector<16xf32>,
    %mul3A_144 = vector.broadcast %convert_element_type3A_80 : f32 to vector<16xf32>
    %mul3A_145 = arith.mulf %mul3A_144, %select_n3A_137 : vector<16xf32>
    %swap3A_146 = arith.constant 1 : i32
    %swap3A_147 = arith.index_cast %swap3A_146 : i32 to index
    %swap3A_148 = arith.constant 48 : index
    %swap3A_149 = tpu.vector_load %arg7[%swap3A_147, %swap3A_148] {strides = array<i32>} : memref<2x128xf32, #tpu.memory_space<vmem>>, vector<16xf32>,
    tpu.vector_store %arg7[%swap3A_147, %swap3A_148], %mul3A_145 {strides = array<i32>} : memref<2x128xf32, #tpu.memory_space<vmem>>, vector<16xf32>,
    %exp3A_150 = math.exp %get3A_34 : vector<16xf32>
    %eq3A_151 = arith.cmpf oeq, %get3A_66, %get3A_34 : vector<16xf32>
    %mul3A_152 = arith.constant 2.000000e+00 : f32
    %mul3A_153 = vector.broadcast %mul3A_152 : f32 to vector<16xf32>
    %mul3A_154 = arith.mulf %mul3A_153, %exp3A_150 : vector<16xf32>
    %select_n3A_155 = arith.select %eq3A_151, %mul3A_154, %exp3A_150 : vector<16xi1>, vector<16xf32>
    %broadcast_in_dim3A_156 = arith.constant 0.000000e+00 : f32
    %broadcast_in_dim3A_157 = vector.broadcast %broadcast_in_dim3A_156 : f32 to vector<16xf32>
    %swap3A_158 = arith.constant 0 : i32
    %swap3A_159 = arith.index_cast %swap3A_158 : i32 to index
    %swap3A_160 = arith.constant 64 : index
    %swap3A_161 = tpu.vector_load %arg7[%swap3A_159, %swap3A_160] {strides = array<i32>} : memref<2x128xf32, #tpu.memory_space<vmem>>, vector<16xf32>,
    tpu.vector_store %arg7[%swap3A_159, %swap3A_160], %broadcast_in_dim3A_157 {strides = array<i32>} : memref<2x128xf32, #tpu.memory_space<vmem>>, vector<16xf32>,
    %mul3A_162 = vector.broadcast %convert_element_type3A_80 : f32 to vector<16xf32>
    %mul3A_163 = arith.mulf %mul3A_162, %select_n3A_155 : vector<16xf32>
    %swap3A_164 = arith.constant 1 : i32
    %swap3A_165 = arith.index_cast %swap3A_164 : i32 to index
    %swap3A_166 = arith.constant 64 : index
    %swap3A_167 = tpu.vector_load %arg7[%swap3A_165, %swap3A_166] {strides = array<i32>} : memref<2x128xf32, #tpu.memory_space<vmem>>, vector<16xf32>,
    tpu.vector_store %arg7[%swap3A_165, %swap3A_166], %mul3A_163 {strides = array<i32>} : memref<2x128xf32, #tpu.memory_space<vmem>>, vector<16xf32>,
    %exp3A_168 = math.exp %get3A_38 : vector<16xf32>
    %eq3A_169 = arith.cmpf oeq, %get3A_70, %get3A_38 : vector<16xf32>
    %mul3A_170 = arith.constant 2.000000e+00 : f32
    %mul3A_171 = vector.broadcast %mul3A_170 : f32 to vector<16xf32>
    %mul3A_172 = arith.mulf %mul3A_171, %exp3A_168 : vector<16xf32>
    %select_n3A_173 = arith.select %eq3A_169, %mul3A_172, %exp3A_168 : vector<16xi1>, vector<16xf32>
    %broadcast_in_dim3A_174 = arith.constant 0.000000e+00 : f32
    %broadcast_in_dim3A_175 = vector.broadcast %broadcast_in_dim3A_174 : f32 to vector<16xf32>
    %swap3A_176 = arith.constant 0 : i32
    %swap3A_177 = arith.index_cast %swap3A_176 : i32 to index
    %swap3A_178 = arith.constant 80 : index
    %swap3A_179 = tpu.vector_load %arg7[%swap3A_177, %swap3A_178] {strides = array<i32>} : memref<2x128xf32, #tpu.memory_space<vmem>>, vector<16xf32>,
    tpu.vector_store %arg7[%swap3A_177, %swap3A_178], %broadcast_in_dim3A_175 {strides = array<i32>} : memref<2x128xf32, #tpu.memory_space<vmem>>, vector<16xf32>,
    %mul3A_180 = vector.broadcast %convert_element_type3A_80 : f32 to vector<16xf32>
    %mul3A_181 = arith.mulf %mul3A_180, %select_n3A_173 : vector<16xf32>
    %swap3A_182 = arith.constant 1 : i32
    %swap3A_183 = arith.index_cast %swap3A_182 : i32 to index
    %swap3A_184 = arith.constant 80 : index
    %swap3A_185 = tpu.vector_load %arg7[%swap3A_183, %swap3A_184] {strides = array<i32>} : memref<2x128xf32, #tpu.memory_space<vmem>>, vector<16xf32>,
    tpu.vector_store %arg7[%swap3A_183, %swap3A_184], %mul3A_181 {strides = array<i32>} : memref<2x128xf32, #tpu.memory_space<vmem>>, vector<16xf32>,
    %exp3A_186 = math.exp %get3A_42 : vector<16xf32>
    %eq3A_187 = arith.cmpf oeq, %get3A_74, %get3A_42 : vector<16xf32>
    %mul3A_188 = arith.constant 2.000000e+00 : f32
    %mul3A_189 = vector.broadcast %mul3A_188 : f32 to vector<16xf32>
    %mul3A_190 = arith.mulf %mul3A_189, %exp3A_186 : vector<16xf32>
    %select_n3A_191 = arith.select %eq3A_187, %mul3A_190, %exp3A_186 : vector<16xi1>, vector<16xf32>
    %broadcast_in_dim3A_192 = arith.constant 0.000000e+00 : f32
    %broadcast_in_dim3A_193 = vector.broadcast %broadcast_in_dim3A_192 : f32 to vector<16xf32>
    %swap3A_194 = arith.constant 0 : i32
    %swap3A_195 = arith.index_cast %swap3A_194 : i32 to index
    %swap3A_196 = arith.constant 96 : index
    %swap3A_197 = tpu.vector_load %arg7[%swap3A_195, %swap3A_196] {strides = array<i32>} : memref<2x128xf32, #tpu.memory_space<vmem>>, vector<16xf32>,
    tpu.vector_store %arg7[%swap3A_195, %swap3A_196], %broadcast_in_dim3A_193 {strides = array<i32>} : memref<2x128xf32, #tpu.memory_space<vmem>>, vector<16xf32>,
    %mul3A_198 = vector.broadcast %convert_element_type3A_80 : f32 to vector<16xf32>
    %mul3A_199 = arith.mulf %mul3A_198, %select_n3A_191 : vector<16xf32>
    %swap3A_200 = arith.constant 1 : i32
    %swap3A_201 = arith.index_cast %swap3A_200 : i32 to index
    %swap3A_202 = arith.constant 96 : index
    %swap3A_203 = tpu.vector_load %arg7[%swap3A_201, %swap3A_202] {strides = array<i32>} : memref<2x128xf32, #tpu.memory_space<vmem>>, vector<16xf32>,
    tpu.vector_store %arg7[%swap3A_201, %swap3A_202], %mul3A_199 {strides = array<i32>} : memref<2x128xf32, #tpu.memory_space<vmem>>, vector<16xf32>,
    %exp3A_204 = math.exp %get3A_46 : vector<16xf32>
    %eq3A_205 = arith.cmpf oeq, %get3A_78, %get3A_46 : vector<16xf32>
    %mul3A_206 = arith.constant 2.000000e+00 : f32
    %mul3A_207 = vector.broadcast %mul3A_206 : f32 to vector<16xf32>
    %mul3A_208 = arith.mulf %mul3A_207, %exp3A_204 : vector<16xf32>
    %select_n3A_209 = arith.select %eq3A_205, %mul3A_208, %exp3A_204 : vector<16xi1>, vector<16xf32>
    %broadcast_in_dim3A_210 = arith.constant 0.000000e+00 : f32
    %broadcast_in_dim3A_211 = vector.broadcast %broadcast_in_dim3A_210 : f32 to vector<16xf32>
    %swap3A_212 = arith.constant 0 : i32
    %swap3A_213 = arith.index_cast %swap3A_212 : i32 to index
    %swap3A_214 = arith.constant 112 : index
    %swap3A_215 = tpu.vector_load %arg7[%swap3A_213, %swap3A_214] {strides = array<i32>} : memref<2x128xf32, #tpu.memory_space<vmem>>, vector<16xf32>,
    tpu.vector_store %arg7[%swap3A_213, %swap3A_214], %broadcast_in_dim3A_211 {strides = array<i32>} : memref<2x128xf32, #tpu.memory_space<vmem>>, vector<16xf32>,
    %mul3A_216 = vector.broadcast %convert_element_type3A_80 : f32 to vector<16xf32>
    %mul3A_217 = arith.mulf %mul3A_216, %select_n3A_209 : vector<16xf32>
    %swap3A_218 = arith.constant 1 : i32
    %swap3A_219 = arith.index_cast %swap3A_218 : i32 to index
    %swap3A_220 = arith.constant 112 : index
    %swap3A_221 = tpu.vector_load %arg7[%swap3A_219, %swap3A_220] {strides = array<i32>} : memref<2x128xf32, #tpu.memory_space<vmem>>, vector<16xf32>,
    tpu.vector_store %arg7[%swap3A_219, %swap3A_220], %mul3A_217 {strides = array<i32>} : memref<2x128xf32, #tpu.memory_space<vmem>>, vector<16xf32>,
    %scan3A = arith.constant 0 : i32
    %scan3A_222 = arith.constant 0 : i32
    %scan3A_223 = arith.constant 6 : i32
    %scan3A_224 = arith.addi %scan3A_222, %scan3A_223 : i32
    %scan3A_225 = arith.constant 1 : i32
    %scan3A_226 = scf.for %scan3A_356 = %scan3A_222 to %scan3A_224 step %scan3A_225 iter_args(%scan3A_357 = %scan3A) -> (i32)  : i32 {
      %mul3A_358 = arith.constant 2 : i32
      %mul3A_359 = arith.muli %mul3A_358, %scan3A_356 : i32
      %add3A_360 = arith.constant 1 : i32
      %add3A_361 = arith.addi %mul3A_359, %add3A_360 : i32
      %mul3A_362 = arith.constant 2 : i32
      %mul3A_363 = arith.muli %mul3A_362, %scan3A_356 : i32
      %add3A_364 = arith.constant 2 : i32
      %add3A_365 = arith.addi %mul3A_363, %add3A_364 : i32
      %lt3A_366 = arith.cmpi slt, %add3A_361, %add3A_8 : i32
      %convert_element_type3A_367 = arith.extui %lt3A_366 : i1 to i32
      %cond3A = arith.constant 0 : i32
      %cond3A_368 = arith.cmpi ne, %convert_element_type3A_367, %cond3A : i32
      scf.if %cond3A_368 {
        %add3A_535 = arith.addi %add3A_4, %add3A_361 : i32
        %mul3A_536 = arith.constant 200 : i32
        %mul3A_537 = arith.muli %add3A_535, %mul3A_536 : i32
        %dma_start3A_538 = arith.constant 0 : i32
        %dma_start3A_539 = tpu.memref_slice %arg2[%mul3A_537, %dma_start3A_538] : memref<100000x128xf32, #tpu.memory_space<hbm>> -> memref<200x128xf32, #tpu.memory_space<hbm>>
        %dma_start3A_540 = arith.constant 0 : i32
        %dma_start3A_541 = tpu.memref_slice %arg2[%mul3A_537, %dma_start3A_540] : memref<100000x128xf32, #tpu.memory_space<hbm>> -> memref<200x128xf32, #tpu.memory_space<hbm>>
        tpu.enqueue_dma source(%dma_start3A_541 : memref<200x128xf32, #tpu.memory_space<hbm>>) target(%arg5 : memref<200x128xf32, #tpu.memory_space<vmem>>) target_semaphore(%arg10 : memref<!tpu.dma_semaphore, #tpu.memory_space<semaphore_mem>>)
      } else {
      }
      %dma_wait3A = arith.constant 0 : i32
      %dma_wait3A_369 = arith.constant 0 : i32
      %dma_wait3A_370 = tpu.memref_slice %arg2[%dma_wait3A, %dma_wait3A_369] : memref<100000x128xf32, #tpu.memory_space<hbm>> -> memref<200x128xf32, #tpu.memory_space<hbm>>
      %dma_wait3A_371 = arith.constant 0 : i32
      %dma_wait3A_372 = arith.constant 0 : i32
      %dma_wait3A_373 = tpu.memref_slice %arg2[%dma_wait3A_371, %dma_wait3A_372] : memref<100000x128xf32, #tpu.memory_space<hbm>> -> memref<200x128xf32, #tpu.memory_space<hbm>>
      tpu.wait_dma2 semaphore(%arg9 : memref<!tpu.dma_semaphore, #tpu.memory_space<semaphore_mem>>) src(%dma_wait3A_373 : memref<200x128xf32, #tpu.memory_space<hbm>>) dst(%arg4 : memref<200x128xf32, #tpu.memory_space<vmem>>)
      %broadcast_in_dim3A_374 = arith.constant 0.000000e+00 : f32
      %broadcast_in_dim3A_375 = vector.broadcast %broadcast_in_dim3A_374 : f32 to vector<16xf32>
      %scan3A_376 = arith.constant 0 : i32
      %scan3A_377 = arith.constant 200 : i32
      %scan3A_378 = arith.addi %scan3A_376, %scan3A_377 : i32
      %scan3A_379 = arith.constant 1 : i32
      %scan3A_380:16 = scf.for %scan3A_535 = %scan3A_376 to %scan3A_378 step %scan3A_379 iter_args(%scan3A_536 = %broadcast_in_dim3A_375, %scan3A_537 = %broadcast_in_dim3A_375, %scan3A_538 = %broadcast_in_dim3A_375, %scan3A_539 = %broadcast_in_dim3A_375, %scan3A_540 = %broadcast_in_dim3A_375, %scan3A_541 = %broadcast_in_dim3A_375, %scan3A_542 = %broadcast_in_dim3A_375, %scan3A_543 = %broadcast_in_dim3A_375, %scan3A_544 = %broadcast_in_dim3A_375, %scan3A_545 = %broadcast_in_dim3A_375, %scan3A_546 = %broadcast_in_dim3A_375, %scan3A_547 = %broadcast_in_dim3A_375, %scan3A_548 = %broadcast_in_dim3A_375, %scan3A_549 = %broadcast_in_dim3A_375, %scan3A_550 = %broadcast_in_dim3A_375, %scan3A_551 = %broadcast_in_dim3A_375) -> (vector<16xf32>, vector<16xf32>, vector<16xf32>, vector<16xf32>, vector<16xf32>, vector<16xf32>, vector<16xf32>, vector<16xf32>, vector<16xf32>, vector<16xf32>, vector<16xf32>, vector<16xf32>, vector<16xf32>, vector<16xf32>, vector<16xf32>, vector<16xf32>)  : i32 {
        %get3A_552 = arith.index_cast %scan3A_535 : i32 to index
        %get3A_553 = arith.constant 0 : index
        %get3A_554 = tpu.vector_load %arg4[%get3A_552, %get3A_553] {strides = array<i32>} : memref<200x128xf32, #tpu.memory_space<vmem>>, vector<16xf32>,
        %exp3A_555 = math.exp %get3A_554 : vector<16xf32>
        %add3A_556 = arith.addf %scan3A_536, %exp3A_555 : vector<16xf32>
        %gt3A = arith.cmpf ogt, %get3A_554, %get3A_18 : vector<16xf32>
        %jit3A_557 = arith.constant 0.000000e+00 : f32
        %broadcast_in_dim3A_558 = vector.broadcast %jit3A_557 : f32 to vector<16xf32>
        %select_n3A_559 = arith.select %gt3A, %exp3A_555, %broadcast_in_dim3A_558 : vector<16xi1>, vector<16xf32>
        %add3A_560 = arith.addf %scan3A_544, %select_n3A_559 : vector<16xf32>
        %get3A_561 = arith.index_cast %scan3A_535 : i32 to index
        %get3A_562 = arith.constant 16 : index
        %get3A_563 = tpu.vector_load %arg4[%get3A_561, %get3A_562] {strides = array<i32>} : memref<200x128xf32, #tpu.memory_space<vmem>>, vector<16xf32>,
        %exp3A_564 = math.exp %get3A_563 : vector<16xf32>
        %add3A_565 = arith.addf %scan3A_537, %exp3A_564 : vector<16xf32>
        %gt3A_566 = arith.cmpf ogt, %get3A_563, %get3A_22 : vector<16xf32>
        %jit3A_567 = arith.constant 0.000000e+00 : f32
        %broadcast_in_dim3A_568 = vector.broadcast %jit3A_567 : f32 to vector<16xf32>
        %select_n3A_569 = arith.select %gt3A_566, %exp3A_564, %broadcast_in_dim3A_568 : vector<16xi1>, vector<16xf32>
        %add3A_570 = arith.addf %scan3A_545, %select_n3A_569 : vector<16xf32>
        %get3A_571 = arith.index_cast %scan3A_535 : i32 to index
        %get3A_572 = arith.constant 32 : index
        %get3A_573 = tpu.vector_load %arg4[%get3A_571, %get3A_572] {strides = array<i32>} : memref<200x128xf32, #tpu.memory_space<vmem>>, vector<16xf32>,
        %exp3A_574 = math.exp %get3A_573 : vector<16xf32>
        %add3A_575 = arith.addf %scan3A_538, %exp3A_574 : vector<16xf32>
        %gt3A_576 = arith.cmpf ogt, %get3A_573, %get3A_26 : vector<16xf32>
        %jit3A_577 = arith.constant 0.000000e+00 : f32
        %broadcast_in_dim3A_578 = vector.broadcast %jit3A_577 : f32 to vector<16xf32>
        %select_n3A_579 = arith.select %gt3A_576, %exp3A_574, %broadcast_in_dim3A_578 : vector<16xi1>, vector<16xf32>
        %add3A_580 = arith.addf %scan3A_546, %select_n3A_579 : vector<16xf32>
        %get3A_581 = arith.index_cast %scan3A_535 : i32 to index
        %get3A_582 = arith.constant 48 : index
        %get3A_583 = tpu.vector_load %arg4[%get3A_581, %get3A_582] {strides = array<i32>} : memref<200x128xf32, #tpu.memory_space<vmem>>, vector<16xf32>,
        %exp3A_584 = math.exp %get3A_583 : vector<16xf32>
        %add3A_585 = arith.addf %scan3A_539, %exp3A_584 : vector<16xf32>
        %gt3A_586 = arith.cmpf ogt, %get3A_583, %get3A_30 : vector<16xf32>
        %jit3A_587 = arith.constant 0.000000e+00 : f32
        %broadcast_in_dim3A_588 = vector.broadcast %jit3A_587 : f32 to vector<16xf32>
        %select_n3A_589 = arith.select %gt3A_586, %exp3A_584, %broadcast_in_dim3A_588 : vector<16xi1>, vector<16xf32>
        %add3A_590 = arith.addf %scan3A_547, %select_n3A_589 : vector<16xf32>
        %get3A_591 = arith.index_cast %scan3A_535 : i32 to index
        %get3A_592 = arith.constant 64 : index
        %get3A_593 = tpu.vector_load %arg4[%get3A_591, %get3A_592] {strides = array<i32>} : memref<200x128xf32, #tpu.memory_space<vmem>>, vector<16xf32>,
        %exp3A_594 = math.exp %get3A_593 : vector<16xf32>
        %add3A_595 = arith.addf %scan3A_540, %exp3A_594 : vector<16xf32>
        %gt3A_596 = arith.cmpf ogt, %get3A_593, %get3A_34 : vector<16xf32>
        %jit3A_597 = arith.constant 0.000000e+00 : f32
        %broadcast_in_dim3A_598 = vector.broadcast %jit3A_597 : f32 to vector<16xf32>
        %select_n3A_599 = arith.select %gt3A_596, %exp3A_594, %broadcast_in_dim3A_598 : vector<16xi1>, vector<16xf32>
        %add3A_600 = arith.addf %scan3A_548, %select_n3A_599 : vector<16xf32>
        %get3A_601 = arith.index_cast %scan3A_535 : i32 to index
        %get3A_602 = arith.constant 80 : index
        %get3A_603 = tpu.vector_load %arg4[%get3A_601, %get3A_602] {strides = array<i32>} : memref<200x128xf32, #tpu.memory_space<vmem>>, vector<16xf32>,
        %exp3A_604 = math.exp %get3A_603 : vector<16xf32>
        %add3A_605 = arith.addf %scan3A_541, %exp3A_604 : vector<16xf32>
        %gt3A_606 = arith.cmpf ogt, %get3A_603, %get3A_38 : vector<16xf32>
        %jit3A_607 = arith.constant 0.000000e+00 : f32
        %broadcast_in_dim3A_608 = vector.broadcast %jit3A_607 : f32 to vector<16xf32>
        %select_n3A_609 = arith.select %gt3A_606, %exp3A_604, %broadcast_in_dim3A_608 : vector<16xi1>, vector<16xf32>
        %add3A_610 = arith.addf %scan3A_549, %select_n3A_609 : vector<16xf32>
        %get3A_611 = arith.index_cast %scan3A_535 : i32 to index
        %get3A_612 = arith.constant 96 : index
        %get3A_613 = tpu.vector_load %arg4[%get3A_611, %get3A_612] {strides = array<i32>} : memref<200x128xf32, #tpu.memory_space<vmem>>, vector<16xf32>,
        %exp3A_614 = math.exp %get3A_613 : vector<16xf32>
        %add3A_615 = arith.addf %scan3A_542, %exp3A_614 : vector<16xf32>
        %gt3A_616 = arith.cmpf ogt, %get3A_613, %get3A_42 : vector<16xf32>
        %jit3A_617 = arith.constant 0.000000e+00 : f32
        %broadcast_in_dim3A_618 = vector.broadcast %jit3A_617 : f32 to vector<16xf32>
        %select_n3A_619 = arith.select %gt3A_616, %exp3A_614, %broadcast_in_dim3A_618 : vector<16xi1>, vector<16xf32>
        %add3A_620 = arith.addf %scan3A_550, %select_n3A_619 : vector<16xf32>
        %get3A_621 = arith.index_cast %scan3A_535 : i32 to index
        %get3A_622 = arith.constant 112 : index
        %get3A_623 = tpu.vector_load %arg4[%get3A_621, %get3A_622] {strides = array<i32>} : memref<200x128xf32, #tpu.memory_space<vmem>>, vector<16xf32>,
        %exp3A_624 = math.exp %get3A_623 : vector<16xf32>
        %add3A_625 = arith.addf %scan3A_543, %exp3A_624 : vector<16xf32>
        %gt3A_626 = arith.cmpf ogt, %get3A_623, %get3A_46 : vector<16xf32>
        %jit3A_627 = arith.constant 0.000000e+00 : f32
        %broadcast_in_dim3A_628 = vector.broadcast %jit3A_627 : f32 to vector<16xf32>
        %select_n3A_629 = arith.select %gt3A_626, %exp3A_624, %broadcast_in_dim3A_628 : vector<16xi1>, vector<16xf32>
        %add3A_630 = arith.addf %scan3A_551, %select_n3A_629 : vector<16xf32>
        scf.yield %add3A_556, %add3A_565, %add3A_575, %add3A_585, %add3A_595, %add3A_605, %add3A_615, %add3A_625, %add3A_560, %add3A_570, %add3A_580, %add3A_590, %add3A_600, %add3A_610, %add3A_620, %add3A_630 : vector<16xf32>, vector<16xf32>, vector<16xf32>, vector<16xf32>, vector<16xf32>, vector<16xf32>, vector<16xf32>, vector<16xf32>, vector<16xf32>, vector<16xf32>, vector<16xf32>, vector<16xf32>, vector<16xf32>, vector<16xf32>, vector<16xf32>, vector<16xf32>
      }
      %scan3A_381 = arith.constant 200 : i32
      %get3A_382 = arith.constant 0 : i32
      %get3A_383 = arith.index_cast %get3A_382 : i32 to index
      %get3A_384 = arith.constant 0 : index
      %get3A_385 = tpu.vector_load %arg7[%get3A_383, %get3A_384] {strides = array<i32>} : memref<2x128xf32, #tpu.memory_space<vmem>>, vector<16xf32>,
      %add3A_386 = arith.addf %get3A_385, %scan3A_380#0 : vector<16xf32>
      %swap3A_387 = arith.constant 0 : i32
      %swap3A_388 = arith.index_cast %swap3A_387 : i32 to index
      %swap3A_389 = arith.constant 0 : index
      %swap3A_390 = tpu.vector_load %arg7[%swap3A_388, %swap3A_389] {strides = array<i32>} : memref<2x128xf32, #tpu.memory_space<vmem>>, vector<16xf32>,
      tpu.vector_store %arg7[%swap3A_388, %swap3A_389], %add3A_386 {strides = array<i32>} : memref<2x128xf32, #tpu.memory_space<vmem>>, vector<16xf32>,
      %get3A_391 = arith.constant 1 : i32
      %get3A_392 = arith.index_cast %get3A_391 : i32 to index
      %get3A_393 = arith.constant 0 : index
      %get3A_394 = tpu.vector_load %arg7[%get3A_392, %get3A_393] {strides = array<i32>} : memref<2x128xf32, #tpu.memory_space<vmem>>, vector<16xf32>,
      %add3A_395 = arith.addf %get3A_394, %scan3A_380#8 : vector<16xf32>
      %swap3A_396 = arith.constant 1 : i32
      %swap3A_397 = arith.index_cast %swap3A_396 : i32 to index
      %swap3A_398 = arith.constant 0 : index
      %swap3A_399 = tpu.vector_load %arg7[%swap3A_397, %swap3A_398] {strides = array<i32>} : memref<2x128xf32, #tpu.memory_space<vmem>>, vector<16xf32>,
      tpu.vector_store %arg7[%swap3A_397, %swap3A_398], %add3A_395 {strides = array<i32>} : memref<2x128xf32, #tpu.memory_space<vmem>>, vector<16xf32>,
      %get3A_400 = arith.constant 0 : i32
      %get3A_401 = arith.index_cast %get3A_400 : i32 to index
      %get3A_402 = arith.constant 16 : index
      %get3A_403 = tpu.vector_load %arg7[%get3A_401, %get3A_402] {strides = array<i32>} : memref<2x128xf32, #tpu.memory_space<vmem>>, vector<16xf32>,
      %add3A_404 = arith.addf %get3A_403, %scan3A_380#1 : vector<16xf32>
      %swap3A_405 = arith.constant 0 : i32
      %swap3A_406 = arith.index_cast %swap3A_405 : i32 to index
      %swap3A_407 = arith.constant 16 : index
      %swap3A_408 = tpu.vector_load %arg7[%swap3A_406, %swap3A_407] {strides = array<i32>} : memref<2x128xf32, #tpu.memory_space<vmem>>, vector<16xf32>,
      tpu.vector_store %arg7[%swap3A_406, %swap3A_407], %add3A_404 {strides = array<i32>} : memref<2x128xf32, #tpu.memory_space<vmem>>, vector<16xf32>,
      %get3A_409 = arith.constant 1 : i32
      %get3A_410 = arith.index_cast %get3A_409 : i32 to index
      %get3A_411 = arith.constant 16 : index
      %get3A_412 = tpu.vector_load %arg7[%get3A_410, %get3A_411] {strides = array<i32>} : memref<2x128xf32, #tpu.memory_space<vmem>>, vector<16xf32>,
      %add3A_413 = arith.addf %get3A_412, %scan3A_380#9 : vector<16xf32>
      %swap3A_414 = arith.constant 1 : i32
      %swap3A_415 = arith.index_cast %swap3A_414 : i32 to index
      %swap3A_416 = arith.constant 16 : index
      %swap3A_417 = tpu.vector_load %arg7[%swap3A_415, %swap3A_416] {strides = array<i32>} : memref<2x128xf32, #tpu.memory_space<vmem>>, vector<16xf32>,
      tpu.vector_store %arg7[%swap3A_415, %swap3A_416], %add3A_413 {strides = array<i32>} : memref<2x128xf32, #tpu.memory_space<vmem>>, vector<16xf32>,
      %get3A_418 = arith.constant 0 : i32
      %get3A_419 = arith.index_cast %get3A_418 : i32 to index
      %get3A_420 = arith.constant 32 : index
      %get3A_421 = tpu.vector_load %arg7[%get3A_419, %get3A_420] {strides = array<i32>} : memref<2x128xf32, #tpu.memory_space<vmem>>, vector<16xf32>,
      %add3A_422 = arith.addf %get3A_421, %scan3A_380#2 : vector<16xf32>
      %swap3A_423 = arith.constant 0 : i32
      %swap3A_424 = arith.index_cast %swap3A_423 : i32 to index
      %swap3A_425 = arith.constant 32 : index
      %swap3A_426 = tpu.vector_load %arg7[%swap3A_424, %swap3A_425] {strides = array<i32>} : memref<2x128xf32, #tpu.memory_space<vmem>>, vector<16xf32>,
      tpu.vector_store %arg7[%swap3A_424, %swap3A_425], %add3A_422 {strides = array<i32>} : memref<2x128xf32, #tpu.memory_space<vmem>>, vector<16xf32>,
      %get3A_427 = arith.constant 1 : i32
      %get3A_428 = arith.index_cast %get3A_427 : i32 to index
      %get3A_429 = arith.constant 32 : index
      %get3A_430 = tpu.vector_load %arg7[%get3A_428, %get3A_429] {strides = array<i32>} : memref<2x128xf32, #tpu.memory_space<vmem>>, vector<16xf32>,
      %add3A_431 = arith.addf %get3A_430, %scan3A_380#10 : vector<16xf32>
      %swap3A_432 = arith.constant 1 : i32
      %swap3A_433 = arith.index_cast %swap3A_432 : i32 to index
      %swap3A_434 = arith.constant 32 : index
      %swap3A_435 = tpu.vector_load %arg7[%swap3A_433, %swap3A_434] {strides = array<i32>} : memref<2x128xf32, #tpu.memory_space<vmem>>, vector<16xf32>,
      tpu.vector_store %arg7[%swap3A_433, %swap3A_434], %add3A_431 {strides = array<i32>} : memref<2x128xf32, #tpu.memory_space<vmem>>, vector<16xf32>,
      %get3A_436 = arith.constant 0 : i32
      %get3A_437 = arith.index_cast %get3A_436 : i32 to index
      %get3A_438 = arith.constant 48 : index
      %get3A_439 = tpu.vector_load %arg7[%get3A_437, %get3A_438] {strides = array<i32>} : memref<2x128xf32, #tpu.memory_space<vmem>>, vector<16xf32>,
      %add3A_440 = arith.addf %get3A_439, %scan3A_380#3 : vector<16xf32>
      %swap3A_441 = arith.constant 0 : i32
      %swap3A_442 = arith.index_cast %swap3A_441 : i32 to index
      %swap3A_443 = arith.constant 48 : index
      %swap3A_444 = tpu.vector_load %arg7[%swap3A_442, %swap3A_443] {strides = array<i32>} : memref<2x128xf32, #tpu.memory_space<vmem>>, vector<16xf32>,
      tpu.vector_store %arg7[%swap3A_442, %swap3A_443], %add3A_440 {strides = array<i32>} : memref<2x128xf32, #tpu.memory_space<vmem>>, vector<16xf32>,
      %get3A_445 = arith.constant 1 : i32
      %get3A_446 = arith.index_cast %get3A_445 : i32 to index
      %get3A_447 = arith.constant 48 : index
      %get3A_448 = tpu.vector_load %arg7[%get3A_446, %get3A_447] {strides = array<i32>} : memref<2x128xf32, #tpu.memory_space<vmem>>, vector<16xf32>,
      %add3A_449 = arith.addf %get3A_448, %scan3A_380#11 : vector<16xf32>
      %swap3A_450 = arith.constant 1 : i32
      %swap3A_451 = arith.index_cast %swap3A_450 : i32 to index
      %swap3A_452 = arith.constant 48 : index
      %swap3A_453 = tpu.vector_load %arg7[%swap3A_451, %swap3A_452] {strides = array<i32>} : memref<2x128xf32, #tpu.memory_space<vmem>>, vector<16xf32>,
      tpu.vector_store %arg7[%swap3A_451, %swap3A_452], %add3A_449 {strides = array<i32>} : memref<2x128xf32, #tpu.memory_space<vmem>>, vector<16xf32>,
      %get3A_454 = arith.constant 0 : i32
      %get3A_455 = arith.index_cast %get3A_454 : i32 to index
      %get3A_456 = arith.constant 64 : index
      %get3A_457 = tpu.vector_load %arg7[%get3A_455, %get3A_456] {strides = array<i32>} : memref<2x128xf32, #tpu.memory_space<vmem>>, vector<16xf32>,
      %add3A_458 = arith.addf %get3A_457, %scan3A_380#4 : vector<16xf32>
      %swap3A_459 = arith.constant 0 : i32
      %swap3A_460 = arith.index_cast %swap3A_459 : i32 to index
      %swap3A_461 = arith.constant 64 : index
      %swap3A_462 = tpu.vector_load %arg7[%swap3A_460, %swap3A_461] {strides = array<i32>} : memref<2x128xf32, #tpu.memory_space<vmem>>, vector<16xf32>,
      tpu.vector_store %arg7[%swap3A_460, %swap3A_461], %add3A_458 {strides = array<i32>} : memref<2x128xf32, #tpu.memory_space<vmem>>, vector<16xf32>,
      %get3A_463 = arith.constant 1 : i32
      %get3A_464 = arith.index_cast %get3A_463 : i32 to index
      %get3A_465 = arith.constant 64 : index
      %get3A_466 = tpu.vector_load %arg7[%get3A_464, %get3A_465] {strides = array<i32>} : memref<2x128xf32, #tpu.memory_space<vmem>>, vector<16xf32>,
      %add3A_467 = arith.addf %get3A_466, %scan3A_380#12 : vector<16xf32>
      %swap3A_468 = arith.constant 1 : i32
      %swap3A_469 = arith.index_cast %swap3A_468 : i32 to index
      %swap3A_470 = arith.constant 64 : index
      %swap3A_471 = tpu.vector_load %arg7[%swap3A_469, %swap3A_470] {strides = array<i32>} : memref<2x128xf32, #tpu.memory_space<vmem>>, vector<16xf32>,
      tpu.vector_store %arg7[%swap3A_469, %swap3A_470], %add3A_467 {strides = array<i32>} : memref<2x128xf32, #tpu.memory_space<vmem>>, vector<16xf32>,
      %get3A_472 = arith.constant 0 : i32
      %get3A_473 = arith.index_cast %get3A_472 : i32 to index
      %get3A_474 = arith.constant 80 : index
      %get3A_475 = tpu.vector_load %arg7[%get3A_473, %get3A_474] {strides = array<i32>} : memref<2x128xf32, #tpu.memory_space<vmem>>, vector<16xf32>,
      %add3A_476 = arith.addf %get3A_475, %scan3A_380#5 : vector<16xf32>
      %swap3A_477 = arith.constant 0 : i32
      %swap3A_478 = arith.index_cast %swap3A_477 : i32 to index
      %swap3A_479 = arith.constant 80 : index
      %swap3A_480 = tpu.vector_load %arg7[%swap3A_478, %swap3A_479] {strides = array<i32>} : memref<2x128xf32, #tpu.memory_space<vmem>>, vector<16xf32>,
      tpu.vector_store %arg7[%swap3A_478, %swap3A_479], %add3A_476 {strides = array<i32>} : memref<2x128xf32, #tpu.memory_space<vmem>>, vector<16xf32>,
      %get3A_481 = arith.constant 1 : i32
      %get3A_482 = arith.index_cast %get3A_481 : i32 to index
      %get3A_483 = arith.constant 80 : index
      %get3A_484 = tpu.vector_load %arg7[%get3A_482, %get3A_483] {strides = array<i32>} : memref<2x128xf32, #tpu.memory_space<vmem>>, vector<16xf32>,
      %add3A_485 = arith.addf %get3A_484, %scan3A_380#13 : vector<16xf32>
      %swap3A_486 = arith.constant 1 : i32
      %swap3A_487 = arith.index_cast %swap3A_486 : i32 to index
      %swap3A_488 = arith.constant 80 : index
      %swap3A_489 = tpu.vector_load %arg7[%swap3A_487, %swap3A_488] {strides = array<i32>} : memref<2x128xf32, #tpu.memory_space<vmem>>, vector<16xf32>,
      tpu.vector_store %arg7[%swap3A_487, %swap3A_488], %add3A_485 {strides = array<i32>} : memref<2x128xf32, #tpu.memory_space<vmem>>, vector<16xf32>,
      %get3A_490 = arith.constant 0 : i32
      %get3A_491 = arith.index_cast %get3A_490 : i32 to index
      %get3A_492 = arith.constant 96 : index
      %get3A_493 = tpu.vector_load %arg7[%get3A_491, %get3A_492] {strides = array<i32>} : memref<2x128xf32, #tpu.memory_space<vmem>>, vector<16xf32>,
      %add3A_494 = arith.addf %get3A_493, %scan3A_380#6 : vector<16xf32>
      %swap3A_495 = arith.constant 0 : i32
      %swap3A_496 = arith.index_cast %swap3A_495 : i32 to index
      %swap3A_497 = arith.constant 96 : index
      %swap3A_498 = tpu.vector_load %arg7[%swap3A_496, %swap3A_497] {strides = array<i32>} : memref<2x128xf32, #tpu.memory_space<vmem>>, vector<16xf32>,
      tpu.vector_store %arg7[%swap3A_496, %swap3A_497], %add3A_494 {strides = array<i32>} : memref<2x128xf32, #tpu.memory_space<vmem>>, vector<16xf32>,
      %get3A_499 = arith.constant 1 : i32
      %get3A_500 = arith.index_cast %get3A_499 : i32 to index
      %get3A_501 = arith.constant 96 : index
      %get3A_502 = tpu.vector_load %arg7[%get3A_500, %get3A_501] {strides = array<i32>} : memref<2x128xf32, #tpu.memory_space<vmem>>, vector<16xf32>,
      %add3A_503 = arith.addf %get3A_502, %scan3A_380#14 : vector<16xf32>
      %swap3A_504 = arith.constant 1 : i32
      %swap3A_505 = arith.index_cast %swap3A_504 : i32 to index
      %swap3A_506 = arith.constant 96 : index
      %swap3A_507 = tpu.vector_load %arg7[%swap3A_505, %swap3A_506] {strides = array<i32>} : memref<2x128xf32, #tpu.memory_space<vmem>>, vector<16xf32>,
      tpu.vector_store %arg7[%swap3A_505, %swap3A_506], %add3A_503 {strides = array<i32>} : memref<2x128xf32, #tpu.memory_space<vmem>>, vector<16xf32>,
      %get3A_508 = arith.constant 0 : i32
      %get3A_509 = arith.index_cast %get3A_508 : i32 to index
      %get3A_510 = arith.constant 112 : index
      %get3A_511 = tpu.vector_load %arg7[%get3A_509, %get3A_510] {strides = array<i32>} : memref<2x128xf32, #tpu.memory_space<vmem>>, vector<16xf32>,
      %add3A_512 = arith.addf %get3A_511, %scan3A_380#7 : vector<16xf32>
      %swap3A_513 = arith.constant 0 : i32
      %swap3A_514 = arith.index_cast %swap3A_513 : i32 to index
      %swap3A_515 = arith.constant 112 : index
      %swap3A_516 = tpu.vector_load %arg7[%swap3A_514, %swap3A_515] {strides = array<i32>} : memref<2x128xf32, #tpu.memory_space<vmem>>, vector<16xf32>,
      tpu.vector_store %arg7[%swap3A_514, %swap3A_515], %add3A_512 {strides = array<i32>} : memref<2x128xf32, #tpu.memory_space<vmem>>, vector<16xf32>,
      %get3A_517 = arith.constant 1 : i32
      %get3A_518 = arith.index_cast %get3A_517 : i32 to index
      %get3A_519 = arith.constant 112 : index
      %get3A_520 = tpu.vector_load %arg7[%get3A_518, %get3A_519] {strides = array<i32>} : memref<2x128xf32, #tpu.memory_space<vmem>>, vector<16xf32>,
      %add3A_521 = arith.addf %get3A_520, %scan3A_380#15 : vector<16xf32>
      %swap3A_522 = arith.constant 1 : i32
      %swap3A_523 = arith.index_cast %swap3A_522 : i32 to index
      %swap3A_524 = arith.constant 112 : index
      %swap3A_525 = tpu.vector_load %arg7[%swap3A_523, %swap3A_524] {strides = array<i32>} : memref<2x128xf32, #tpu.memory_space<vmem>>, vector<16xf32>,
      tpu.vector_store %arg7[%swap3A_523, %swap3A_524], %add3A_521 {strides = array<i32>} : memref<2x128xf32, #tpu.memory_space<vmem>>, vector<16xf32>,
      %lt3A_526 = arith.cmpi slt, %add3A_365, %add3A_8 : i32
      %convert_element_type3A_527 = arith.extui %lt3A_526 : i1 to i32
      %cond3A_528 = arith.constant 0 : i32
      %cond3A_529 = arith.cmpi ne, %convert_element_type3A_527, %cond3A_528 : i32
      scf.if %cond3A_529 {
        %add3A_535 = arith.addi %add3A_4, %add3A_365 : i32
        %mul3A_536 = arith.constant 200 : i32
        %mul3A_537 = arith.muli %add3A_535, %mul3A_536 : i32
        %dma_start3A_538 = arith.constant 0 : i32
        %dma_start3A_539 = tpu.memref_slice %arg2[%mul3A_537, %dma_start3A_538] : memref<100000x128xf32, #tpu.memory_space<hbm>> -> memref<200x128xf32, #tpu.memory_space<hbm>>
        %dma_start3A_540 = arith.constant 0 : i32
        %dma_start3A_541 = tpu.memref_slice %arg2[%mul3A_537, %dma_start3A_540] : memref<100000x128xf32, #tpu.memory_space<hbm>> -> memref<200x128xf32, #tpu.memory_space<hbm>>
        tpu.enqueue_dma source(%dma_start3A_541 : memref<200x128xf32, #tpu.memory_space<hbm>>) target(%arg4 : memref<200x128xf32, #tpu.memory_space<vmem>>) target_semaphore(%arg9 : memref<!tpu.dma_semaphore, #tpu.memory_space<semaphore_mem>>)
      } else {
      }
      %lt3A_530 = arith.cmpi slt, %add3A_361, %add3A_8 : i32
      %convert_element_type3A_531 = arith.extui %lt3A_530 : i1 to i32
      %cond3A_532 = arith.constant 0 : i32
      %cond3A_533 = arith.cmpi ne, %convert_element_type3A_531, %cond3A_532 : i32
      scf.if %cond3A_533 {
        %dma_wait3A_535 = arith.constant 0 : i32
        %dma_wait3A_536 = arith.constant 0 : i32
        %dma_wait3A_537 = tpu.memref_slice %arg2[%dma_wait3A_535, %dma_wait3A_536] : memref<100000x128xf32, #tpu.memory_space<hbm>> -> memref<200x128xf32, #tpu.memory_space<hbm>>
        %dma_wait3A_538 = arith.constant 0 : i32
        %dma_wait3A_539 = arith.constant 0 : i32
        %dma_wait3A_540 = tpu.memref_slice %arg2[%dma_wait3A_538, %dma_wait3A_539] : memref<100000x128xf32, #tpu.memory_space<hbm>> -> memref<200x128xf32, #tpu.memory_space<hbm>>
        tpu.wait_dma2 semaphore(%arg10 : memref<!tpu.dma_semaphore, #tpu.memory_space<semaphore_mem>>) src(%dma_wait3A_540 : memref<200x128xf32, #tpu.memory_space<hbm>>) dst(%arg5 : memref<200x128xf32, #tpu.memory_space<vmem>>)
        %broadcast_in_dim3A_541 = arith.constant 0.000000e+00 : f32
        %broadcast_in_dim3A_542 = vector.broadcast %broadcast_in_dim3A_541 : f32 to vector<16xf32>
        %scan3A_543 = arith.constant 0 : i32
        %scan3A_544 = arith.constant 200 : i32
        %scan3A_545 = arith.addi %scan3A_543, %scan3A_544 : i32
        %scan3A_546 = arith.constant 1 : i32
        %scan3A_547:16 = scf.for %scan3A_693 = %scan3A_543 to %scan3A_545 step %scan3A_546 iter_args(%scan3A_694 = %broadcast_in_dim3A_542, %scan3A_695 = %broadcast_in_dim3A_542, %scan3A_696 = %broadcast_in_dim3A_542, %scan3A_697 = %broadcast_in_dim3A_542, %scan3A_698 = %broadcast_in_dim3A_542, %scan3A_699 = %broadcast_in_dim3A_542, %scan3A_700 = %broadcast_in_dim3A_542, %scan3A_701 = %broadcast_in_dim3A_542, %scan3A_702 = %broadcast_in_dim3A_542, %scan3A_703 = %broadcast_in_dim3A_542, %scan3A_704 = %broadcast_in_dim3A_542, %scan3A_705 = %broadcast_in_dim3A_542, %scan3A_706 = %broadcast_in_dim3A_542, %scan3A_707 = %broadcast_in_dim3A_542, %scan3A_708 = %broadcast_in_dim3A_542, %scan3A_709 = %broadcast_in_dim3A_542) -> (vector<16xf32>, vector<16xf32>, vector<16xf32>, vector<16xf32>, vector<16xf32>, vector<16xf32>, vector<16xf32>, vector<16xf32>, vector<16xf32>, vector<16xf32>, vector<16xf32>, vector<16xf32>, vector<16xf32>, vector<16xf32>, vector<16xf32>, vector<16xf32>)  : i32 {
          %get3A_710 = arith.index_cast %scan3A_693 : i32 to index
          %get3A_711 = arith.constant 0 : index
          %get3A_712 = tpu.vector_load %arg5[%get3A_710, %get3A_711] {strides = array<i32>} : memref<200x128xf32, #tpu.memory_space<vmem>>, vector<16xf32>,
          %exp3A_713 = math.exp %get3A_712 : vector<16xf32>
          %add3A_714 = arith.addf %scan3A_694, %exp3A_713 : vector<16xf32>
          %gt3A = arith.cmpf ogt, %get3A_712, %get3A_18 : vector<16xf32>
          %jit3A_715 = arith.constant 0.000000e+00 : f32
          %broadcast_in_dim3A_716 = vector.broadcast %jit3A_715 : f32 to vector<16xf32>
          %select_n3A_717 = arith.select %gt3A, %exp3A_713, %broadcast_in_dim3A_716 : vector<16xi1>, vector<16xf32>
          %add3A_718 = arith.addf %scan3A_702, %select_n3A_717 : vector<16xf32>
          %get3A_719 = arith.index_cast %scan3A_693 : i32 to index
          %get3A_720 = arith.constant 16 : index
          %get3A_721 = tpu.vector_load %arg5[%get3A_719, %get3A_720] {strides = array<i32>} : memref<200x128xf32, #tpu.memory_space<vmem>>, vector<16xf32>,
          %exp3A_722 = math.exp %get3A_721 : vector<16xf32>
          %add3A_723 = arith.addf %scan3A_695, %exp3A_722 : vector<16xf32>
          %gt3A_724 = arith.cmpf ogt, %get3A_721, %get3A_22 : vector<16xf32>
          %jit3A_725 = arith.constant 0.000000e+00 : f32
          %broadcast_in_dim3A_726 = vector.broadcast %jit3A_725 : f32 to vector<16xf32>
          %select_n3A_727 = arith.select %gt3A_724, %exp3A_722, %broadcast_in_dim3A_726 : vector<16xi1>, vector<16xf32>
          %add3A_728 = arith.addf %scan3A_703, %select_n3A_727 : vector<16xf32>
          %get3A_729 = arith.index_cast %scan3A_693 : i32 to index
          %get3A_730 = arith.constant 32 : index
          %get3A_731 = tpu.vector_load %arg5[%get3A_729, %get3A_730] {strides = array<i32>} : memref<200x128xf32, #tpu.memory_space<vmem>>, vector<16xf32>,
          %exp3A_732 = math.exp %get3A_731 : vector<16xf32>
          %add3A_733 = arith.addf %scan3A_696, %exp3A_732 : vector<16xf32>
          %gt3A_734 = arith.cmpf ogt, %get3A_731, %get3A_26 : vector<16xf32>
          %jit3A_735 = arith.constant 0.000000e+00 : f32
          %broadcast_in_dim3A_736 = vector.broadcast %jit3A_735 : f32 to vector<16xf32>
          %select_n3A_737 = arith.select %gt3A_734, %exp3A_732, %broadcast_in_dim3A_736 : vector<16xi1>, vector<16xf32>
          %add3A_738 = arith.addf %scan3A_704, %select_n3A_737 : vector<16xf32>
          %get3A_739 = arith.index_cast %scan3A_693 : i32 to index
          %get3A_740 = arith.constant 48 : index
          %get3A_741 = tpu.vector_load %arg5[%get3A_739, %get3A_740] {strides = array<i32>} : memref<200x128xf32, #tpu.memory_space<vmem>>, vector<16xf32>,
          %exp3A_742 = math.exp %get3A_741 : vector<16xf32>
          %add3A_743 = arith.addf %scan3A_697, %exp3A_742 : vector<16xf32>
          %gt3A_744 = arith.cmpf ogt, %get3A_741, %get3A_30 : vector<16xf32>
          %jit3A_745 = arith.constant 0.000000e+00 : f32
          %broadcast_in_dim3A_746 = vector.broadcast %jit3A_745 : f32 to vector<16xf32>
          %select_n3A_747 = arith.select %gt3A_744, %exp3A_742, %broadcast_in_dim3A_746 : vector<16xi1>, vector<16xf32>
          %add3A_748 = arith.addf %scan3A_705, %select_n3A_747 : vector<16xf32>
          %get3A_749 = arith.index_cast %scan3A_693 : i32 to index
          %get3A_750 = arith.constant 64 : index
          %get3A_751 = tpu.vector_load %arg5[%get3A_749, %get3A_750] {strides = array<i32>} : memref<200x128xf32, #tpu.memory_space<vmem>>, vector<16xf32>,
          %exp3A_752 = math.exp %get3A_751 : vector<16xf32>
          %add3A_753 = arith.addf %scan3A_698, %exp3A_752 : vector<16xf32>
          %gt3A_754 = arith.cmpf ogt, %get3A_751, %get3A_34 : vector<16xf32>
          %jit3A_755 = arith.constant 0.000000e+00 : f32
          %broadcast_in_dim3A_756 = vector.broadcast %jit3A_755 : f32 to vector<16xf32>
          %select_n3A_757 = arith.select %gt3A_754, %exp3A_752, %broadcast_in_dim3A_756 : vector<16xi1>, vector<16xf32>
          %add3A_758 = arith.addf %scan3A_706, %select_n3A_757 : vector<16xf32>
          %get3A_759 = arith.index_cast %scan3A_693 : i32 to index
          %get3A_760 = arith.constant 80 : index
          %get3A_761 = tpu.vector_load %arg5[%get3A_759, %get3A_760] {strides = array<i32>} : memref<200x128xf32, #tpu.memory_space<vmem>>, vector<16xf32>,
          %exp3A_762 = math.exp %get3A_761 : vector<16xf32>
          %add3A_763 = arith.addf %scan3A_699, %exp3A_762 : vector<16xf32>
          %gt3A_764 = arith.cmpf ogt, %get3A_761, %get3A_38 : vector<16xf32>
          %jit3A_765 = arith.constant 0.000000e+00 : f32
          %broadcast_in_dim3A_766 = vector.broadcast %jit3A_765 : f32 to vector<16xf32>
          %select_n3A_767 = arith.select %gt3A_764, %exp3A_762, %broadcast_in_dim3A_766 : vector<16xi1>, vector<16xf32>
          %add3A_768 = arith.addf %scan3A_707, %select_n3A_767 : vector<16xf32>
          %get3A_769 = arith.index_cast %scan3A_693 : i32 to index
          %get3A_770 = arith.constant 96 : index
          %get3A_771 = tpu.vector_load %arg5[%get3A_769, %get3A_770] {strides = array<i32>} : memref<200x128xf32, #tpu.memory_space<vmem>>, vector<16xf32>,
          %exp3A_772 = math.exp %get3A_771 : vector<16xf32>
          %add3A_773 = arith.addf %scan3A_700, %exp3A_772 : vector<16xf32>
          %gt3A_774 = arith.cmpf ogt, %get3A_771, %get3A_42 : vector<16xf32>
          %jit3A_775 = arith.constant 0.000000e+00 : f32
          %broadcast_in_dim3A_776 = vector.broadcast %jit3A_775 : f32 to vector<16xf32>
          %select_n3A_777 = arith.select %gt3A_774, %exp3A_772, %broadcast_in_dim3A_776 : vector<16xi1>, vector<16xf32>
          %add3A_778 = arith.addf %scan3A_708, %select_n3A_777 : vector<16xf32>
          %get3A_779 = arith.index_cast %scan3A_693 : i32 to index
          %get3A_780 = arith.constant 112 : index
          %get3A_781 = tpu.vector_load %arg5[%get3A_779, %get3A_780] {strides = array<i32>} : memref<200x128xf32, #tpu.memory_space<vmem>>, vector<16xf32>,
          %exp3A_782 = math.exp %get3A_781 : vector<16xf32>
          %add3A_783 = arith.addf %scan3A_701, %exp3A_782 : vector<16xf32>
          %gt3A_784 = arith.cmpf ogt, %get3A_781, %get3A_46 : vector<16xf32>
          %jit3A_785 = arith.constant 0.000000e+00 : f32
          %broadcast_in_dim3A_786 = vector.broadcast %jit3A_785 : f32 to vector<16xf32>
          %select_n3A_787 = arith.select %gt3A_784, %exp3A_782, %broadcast_in_dim3A_786 : vector<16xi1>, vector<16xf32>
          %add3A_788 = arith.addf %scan3A_709, %select_n3A_787 : vector<16xf32>
          scf.yield %add3A_714, %add3A_723, %add3A_733, %add3A_743, %add3A_753, %add3A_763, %add3A_773, %add3A_783, %add3A_718, %add3A_728, %add3A_738, %add3A_748, %add3A_758, %add3A_768, %add3A_778, %add3A_788 : vector<16xf32>, vector<16xf32>, vector<16xf32>, vector<16xf32>, vector<16xf32>, vector<16xf32>, vector<16xf32>, vector<16xf32>, vector<16xf32>, vector<16xf32>, vector<16xf32>, vector<16xf32>, vector<16xf32>, vector<16xf32>, vector<16xf32>, vector<16xf32>
        }
        %scan3A_548 = arith.constant 200 : i32
        %get3A_549 = arith.constant 0 : i32
        %get3A_550 = arith.index_cast %get3A_549 : i32 to index
        %get3A_551 = arith.constant 0 : index
        %get3A_552 = tpu.vector_load %arg7[%get3A_550, %get3A_551] {strides = array<i32>} : memref<2x128xf32, #tpu.memory_space<vmem>>, vector<16xf32>,
        %add3A_553 = arith.addf %get3A_552, %scan3A_547#0 : vector<16xf32>
        %swap3A_554 = arith.constant 0 : i32
        %swap3A_555 = arith.index_cast %swap3A_554 : i32 to index
        %swap3A_556 = arith.constant 0 : index
        %swap3A_557 = tpu.vector_load %arg7[%swap3A_555, %swap3A_556] {strides = array<i32>} : memref<2x128xf32, #tpu.memory_space<vmem>>, vector<16xf32>,
        tpu.vector_store %arg7[%swap3A_555, %swap3A_556], %add3A_553 {strides = array<i32>} : memref<2x128xf32, #tpu.memory_space<vmem>>, vector<16xf32>,
        %get3A_558 = arith.constant 1 : i32
        %get3A_559 = arith.index_cast %get3A_558 : i32 to index
        %get3A_560 = arith.constant 0 : index
        %get3A_561 = tpu.vector_load %arg7[%get3A_559, %get3A_560] {strides = array<i32>} : memref<2x128xf32, #tpu.memory_space<vmem>>, vector<16xf32>,
        %add3A_562 = arith.addf %get3A_561, %scan3A_547#8 : vector<16xf32>
        %swap3A_563 = arith.constant 1 : i32
        %swap3A_564 = arith.index_cast %swap3A_563 : i32 to index
        %swap3A_565 = arith.constant 0 : index
        %swap3A_566 = tpu.vector_load %arg7[%swap3A_564, %swap3A_565] {strides = array<i32>} : memref<2x128xf32, #tpu.memory_space<vmem>>, vector<16xf32>,
        tpu.vector_store %arg7[%swap3A_564, %swap3A_565], %add3A_562 {strides = array<i32>} : memref<2x128xf32, #tpu.memory_space<vmem>>, vector<16xf32>,
        %get3A_567 = arith.constant 0 : i32
        %get3A_568 = arith.index_cast %get3A_567 : i32 to index
        %get3A_569 = arith.constant 16 : index
        %get3A_570 = tpu.vector_load %arg7[%get3A_568, %get3A_569] {strides = array<i32>} : memref<2x128xf32, #tpu.memory_space<vmem>>, vector<16xf32>,
        %add3A_571 = arith.addf %get3A_570, %scan3A_547#1 : vector<16xf32>
        %swap3A_572 = arith.constant 0 : i32
        %swap3A_573 = arith.index_cast %swap3A_572 : i32 to index
        %swap3A_574 = arith.constant 16 : index
        %swap3A_575 = tpu.vector_load %arg7[%swap3A_573, %swap3A_574] {strides = array<i32>} : memref<2x128xf32, #tpu.memory_space<vmem>>, vector<16xf32>,
        tpu.vector_store %arg7[%swap3A_573, %swap3A_574], %add3A_571 {strides = array<i32>} : memref<2x128xf32, #tpu.memory_space<vmem>>, vector<16xf32>,
        %get3A_576 = arith.constant 1 : i32
        %get3A_577 = arith.index_cast %get3A_576 : i32 to index
        %get3A_578 = arith.constant 16 : index
        %get3A_579 = tpu.vector_load %arg7[%get3A_577, %get3A_578] {strides = array<i32>} : memref<2x128xf32, #tpu.memory_space<vmem>>, vector<16xf32>,
        %add3A_580 = arith.addf %get3A_579, %scan3A_547#9 : vector<16xf32>
        %swap3A_581 = arith.constant 1 : i32
        %swap3A_582 = arith.index_cast %swap3A_581 : i32 to index
        %swap3A_583 = arith.constant 16 : index
        %swap3A_584 = tpu.vector_load %arg7[%swap3A_582, %swap3A_583] {strides = array<i32>} : memref<2x128xf32, #tpu.memory_space<vmem>>, vector<16xf32>,
        tpu.vector_store %arg7[%swap3A_582, %swap3A_583], %add3A_580 {strides = array<i32>} : memref<2x128xf32, #tpu.memory_space<vmem>>, vector<16xf32>,
        %get3A_585 = arith.constant 0 : i32
        %get3A_586 = arith.index_cast %get3A_585 : i32 to index
        %get3A_587 = arith.constant 32 : index
        %get3A_588 = tpu.vector_load %arg7[%get3A_586, %get3A_587] {strides = array<i32>} : memref<2x128xf32, #tpu.memory_space<vmem>>, vector<16xf32>,
        %add3A_589 = arith.addf %get3A_588, %scan3A_547#2 : vector<16xf32>
        %swap3A_590 = arith.constant 0 : i32
        %swap3A_591 = arith.index_cast %swap3A_590 : i32 to index
        %swap3A_592 = arith.constant 32 : index
        %swap3A_593 = tpu.vector_load %arg7[%swap3A_591, %swap3A_592] {strides = array<i32>} : memref<2x128xf32, #tpu.memory_space<vmem>>, vector<16xf32>,
        tpu.vector_store %arg7[%swap3A_591, %swap3A_592], %add3A_589 {strides = array<i32>} : memref<2x128xf32, #tpu.memory_space<vmem>>, vector<16xf32>,
        %get3A_594 = arith.constant 1 : i32
        %get3A_595 = arith.index_cast %get3A_594 : i32 to index
        %get3A_596 = arith.constant 32 : index
        %get3A_597 = tpu.vector_load %arg7[%get3A_595, %get3A_596] {strides = array<i32>} : memref<2x128xf32, #tpu.memory_space<vmem>>, vector<16xf32>,
        %add3A_598 = arith.addf %get3A_597, %scan3A_547#10 : vector<16xf32>
        %swap3A_599 = arith.constant 1 : i32
        %swap3A_600 = arith.index_cast %swap3A_599 : i32 to index
        %swap3A_601 = arith.constant 32 : index
        %swap3A_602 = tpu.vector_load %arg7[%swap3A_600, %swap3A_601] {strides = array<i32>} : memref<2x128xf32, #tpu.memory_space<vmem>>, vector<16xf32>,
        tpu.vector_store %arg7[%swap3A_600, %swap3A_601], %add3A_598 {strides = array<i32>} : memref<2x128xf32, #tpu.memory_space<vmem>>, vector<16xf32>,
        %get3A_603 = arith.constant 0 : i32
        %get3A_604 = arith.index_cast %get3A_603 : i32 to index
        %get3A_605 = arith.constant 48 : index
        %get3A_606 = tpu.vector_load %arg7[%get3A_604, %get3A_605] {strides = array<i32>} : memref<2x128xf32, #tpu.memory_space<vmem>>, vector<16xf32>,
        %add3A_607 = arith.addf %get3A_606, %scan3A_547#3 : vector<16xf32>
        %swap3A_608 = arith.constant 0 : i32
        %swap3A_609 = arith.index_cast %swap3A_608 : i32 to index
        %swap3A_610 = arith.constant 48 : index
        %swap3A_611 = tpu.vector_load %arg7[%swap3A_609, %swap3A_610] {strides = array<i32>} : memref<2x128xf32, #tpu.memory_space<vmem>>, vector<16xf32>,
        tpu.vector_store %arg7[%swap3A_609, %swap3A_610], %add3A_607 {strides = array<i32>} : memref<2x128xf32, #tpu.memory_space<vmem>>, vector<16xf32>,
        %get3A_612 = arith.constant 1 : i32
        %get3A_613 = arith.index_cast %get3A_612 : i32 to index
        %get3A_614 = arith.constant 48 : index
        %get3A_615 = tpu.vector_load %arg7[%get3A_613, %get3A_614] {strides = array<i32>} : memref<2x128xf32, #tpu.memory_space<vmem>>, vector<16xf32>,
        %add3A_616 = arith.addf %get3A_615, %scan3A_547#11 : vector<16xf32>
        %swap3A_617 = arith.constant 1 : i32
        %swap3A_618 = arith.index_cast %swap3A_617 : i32 to index
        %swap3A_619 = arith.constant 48 : index
        %swap3A_620 = tpu.vector_load %arg7[%swap3A_618, %swap3A_619] {strides = array<i32>} : memref<2x128xf32, #tpu.memory_space<vmem>>, vector<16xf32>,
        tpu.vector_store %arg7[%swap3A_618, %swap3A_619], %add3A_616 {strides = array<i32>} : memref<2x128xf32, #tpu.memory_space<vmem>>, vector<16xf32>,
        %get3A_621 = arith.constant 0 : i32
        %get3A_622 = arith.index_cast %get3A_621 : i32 to index
        %get3A_623 = arith.constant 64 : index
        %get3A_624 = tpu.vector_load %arg7[%get3A_622, %get3A_623] {strides = array<i32>} : memref<2x128xf32, #tpu.memory_space<vmem>>, vector<16xf32>,
        %add3A_625 = arith.addf %get3A_624, %scan3A_547#4 : vector<16xf32>
        %swap3A_626 = arith.constant 0 : i32
        %swap3A_627 = arith.index_cast %swap3A_626 : i32 to index
        %swap3A_628 = arith.constant 64 : index
        %swap3A_629 = tpu.vector_load %arg7[%swap3A_627, %swap3A_628] {strides = array<i32>} : memref<2x128xf32, #tpu.memory_space<vmem>>, vector<16xf32>,
        tpu.vector_store %arg7[%swap3A_627, %swap3A_628], %add3A_625 {strides = array<i32>} : memref<2x128xf32, #tpu.memory_space<vmem>>, vector<16xf32>,
        %get3A_630 = arith.constant 1 : i32
        %get3A_631 = arith.index_cast %get3A_630 : i32 to index
        %get3A_632 = arith.constant 64 : index
        %get3A_633 = tpu.vector_load %arg7[%get3A_631, %get3A_632] {strides = array<i32>} : memref<2x128xf32, #tpu.memory_space<vmem>>, vector<16xf32>,
        %add3A_634 = arith.addf %get3A_633, %scan3A_547#12 : vector<16xf32>
        %swap3A_635 = arith.constant 1 : i32
        %swap3A_636 = arith.index_cast %swap3A_635 : i32 to index
        %swap3A_637 = arith.constant 64 : index
        %swap3A_638 = tpu.vector_load %arg7[%swap3A_636, %swap3A_637] {strides = array<i32>} : memref<2x128xf32, #tpu.memory_space<vmem>>, vector<16xf32>,
        tpu.vector_store %arg7[%swap3A_636, %swap3A_637], %add3A_634 {strides = array<i32>} : memref<2x128xf32, #tpu.memory_space<vmem>>, vector<16xf32>,
        %get3A_639 = arith.constant 0 : i32
        %get3A_640 = arith.index_cast %get3A_639 : i32 to index
        %get3A_641 = arith.constant 80 : index
        %get3A_642 = tpu.vector_load %arg7[%get3A_640, %get3A_641] {strides = array<i32>} : memref<2x128xf32, #tpu.memory_space<vmem>>, vector<16xf32>,
        %add3A_643 = arith.addf %get3A_642, %scan3A_547#5 : vector<16xf32>
        %swap3A_644 = arith.constant 0 : i32
        %swap3A_645 = arith.index_cast %swap3A_644 : i32 to index
        %swap3A_646 = arith.constant 80 : index
        %swap3A_647 = tpu.vector_load %arg7[%swap3A_645, %swap3A_646] {strides = array<i32>} : memref<2x128xf32, #tpu.memory_space<vmem>>, vector<16xf32>,
        tpu.vector_store %arg7[%swap3A_645, %swap3A_646], %add3A_643 {strides = array<i32>} : memref<2x128xf32, #tpu.memory_space<vmem>>, vector<16xf32>,
        %get3A_648 = arith.constant 1 : i32
        %get3A_649 = arith.index_cast %get3A_648 : i32 to index
        %get3A_650 = arith.constant 80 : index
        %get3A_651 = tpu.vector_load %arg7[%get3A_649, %get3A_650] {strides = array<i32>} : memref<2x128xf32, #tpu.memory_space<vmem>>, vector<16xf32>,
        %add3A_652 = arith.addf %get3A_651, %scan3A_547#13 : vector<16xf32>
        %swap3A_653 = arith.constant 1 : i32
        %swap3A_654 = arith.index_cast %swap3A_653 : i32 to index
        %swap3A_655 = arith.constant 80 : index
        %swap3A_656 = tpu.vector_load %arg7[%swap3A_654, %swap3A_655] {strides = array<i32>} : memref<2x128xf32, #tpu.memory_space<vmem>>, vector<16xf32>,
        tpu.vector_store %arg7[%swap3A_654, %swap3A_655], %add3A_652 {strides = array<i32>} : memref<2x128xf32, #tpu.memory_space<vmem>>, vector<16xf32>,
        %get3A_657 = arith.constant 0 : i32
        %get3A_658 = arith.index_cast %get3A_657 : i32 to index
        %get3A_659 = arith.constant 96 : index
        %get3A_660 = tpu.vector_load %arg7[%get3A_658, %get3A_659] {strides = array<i32>} : memref<2x128xf32, #tpu.memory_space<vmem>>, vector<16xf32>,
        %add3A_661 = arith.addf %get3A_660, %scan3A_547#6 : vector<16xf32>
        %swap3A_662 = arith.constant 0 : i32
        %swap3A_663 = arith.index_cast %swap3A_662 : i32 to index
        %swap3A_664 = arith.constant 96 : index
        %swap3A_665 = tpu.vector_load %arg7[%swap3A_663, %swap3A_664] {strides = array<i32>} : memref<2x128xf32, #tpu.memory_space<vmem>>, vector<16xf32>,
        tpu.vector_store %arg7[%swap3A_663, %swap3A_664], %add3A_661 {strides = array<i32>} : memref<2x128xf32, #tpu.memory_space<vmem>>, vector<16xf32>,
        %get3A_666 = arith.constant 1 : i32
        %get3A_667 = arith.index_cast %get3A_666 : i32 to index
        %get3A_668 = arith.constant 96 : index
        %get3A_669 = tpu.vector_load %arg7[%get3A_667, %get3A_668] {strides = array<i32>} : memref<2x128xf32, #tpu.memory_space<vmem>>, vector<16xf32>,
        %add3A_670 = arith.addf %get3A_669, %scan3A_547#14 : vector<16xf32>
        %swap3A_671 = arith.constant 1 : i32
        %swap3A_672 = arith.index_cast %swap3A_671 : i32 to index
        %swap3A_673 = arith.constant 96 : index
        %swap3A_674 = tpu.vector_load %arg7[%swap3A_672, %swap3A_673] {strides = array<i32>} : memref<2x128xf32, #tpu.memory_space<vmem>>, vector<16xf32>,
        tpu.vector_store %arg7[%swap3A_672, %swap3A_673], %add3A_670 {strides = array<i32>} : memref<2x128xf32, #tpu.memory_space<vmem>>, vector<16xf32>,
        %get3A_675 = arith.constant 0 : i32
        %get3A_676 = arith.index_cast %get3A_675 : i32 to index
        %get3A_677 = arith.constant 112 : index
        %get3A_678 = tpu.vector_load %arg7[%get3A_676, %get3A_677] {strides = array<i32>} : memref<2x128xf32, #tpu.memory_space<vmem>>, vector<16xf32>,
        %add3A_679 = arith.addf %get3A_678, %scan3A_547#7 : vector<16xf32>
        %swap3A_680 = arith.constant 0 : i32
        %swap3A_681 = arith.index_cast %swap3A_680 : i32 to index
        %swap3A_682 = arith.constant 112 : index
        %swap3A_683 = tpu.vector_load %arg7[%swap3A_681, %swap3A_682] {strides = array<i32>} : memref<2x128xf32, #tpu.memory_space<vmem>>, vector<16xf32>,
        tpu.vector_store %arg7[%swap3A_681, %swap3A_682], %add3A_679 {strides = array<i32>} : memref<2x128xf32, #tpu.memory_space<vmem>>, vector<16xf32>,
        %get3A_684 = arith.constant 1 : i32
        %get3A_685 = arith.index_cast %get3A_684 : i32 to index
        %get3A_686 = arith.constant 112 : index
        %get3A_687 = tpu.vector_load %arg7[%get3A_685, %get3A_686] {strides = array<i32>} : memref<2x128xf32, #tpu.memory_space<vmem>>, vector<16xf32>,
        %add3A_688 = arith.addf %get3A_687, %scan3A_547#15 : vector<16xf32>
        %swap3A_689 = arith.constant 1 : i32
        %swap3A_690 = arith.index_cast %swap3A_689 : i32 to index
        %swap3A_691 = arith.constant 112 : index
        %swap3A_692 = tpu.vector_load %arg7[%swap3A_690, %swap3A_691] {strides = array<i32>} : memref<2x128xf32, #tpu.memory_space<vmem>>, vector<16xf32>,
        tpu.vector_store %arg7[%swap3A_690, %swap3A_691], %add3A_688 {strides = array<i32>} : memref<2x128xf32, #tpu.memory_space<vmem>>, vector<16xf32>,
      } else {
      }
      %scan3A_534 = arith.constant 0 : i32
      scf.yield %scan3A_534 : i32
    }
    %scan3A_227 = arith.constant 6 : i32
    %get3A_228 = arith.constant 0 : i32
    %get3A_229 = arith.index_cast %get3A_228 : i32 to index
    %get3A_230 = arith.constant 0 : index
    %get3A_231 = tpu.vector_load %arg7[%get3A_229, %get3A_230] {strides = array<i32>} : memref<2x128xf32, #tpu.memory_space<vmem>>, vector<16xf32>,
    %swap3A_232 = arith.constant 0 : i32
    %swap3A_233 = arith.index_cast %swap3A_232 : i32 to index
    %swap3A_234 = arith.constant 0 : index
    %swap3A_235 = tpu.vector_load %arg8[%swap3A_233, %swap3A_234] {strides = array<i32>} : memref<2x128xf32, #tpu.memory_space<vmem>>, vector<16xf32>,
    tpu.vector_store %arg8[%swap3A_233, %swap3A_234], %get3A_231 {strides = array<i32>} : memref<2x128xf32, #tpu.memory_space<vmem>>, vector<16xf32>,
    %get3A_236 = arith.constant 1 : i32
    %get3A_237 = arith.index_cast %get3A_236 : i32 to index
    %get3A_238 = arith.constant 0 : index
    %get3A_239 = tpu.vector_load %arg7[%get3A_237, %get3A_238] {strides = array<i32>} : memref<2x128xf32, #tpu.memory_space<vmem>>, vector<16xf32>,
    %swap3A_240 = arith.constant 1 : i32
    %swap3A_241 = arith.index_cast %swap3A_240 : i32 to index
    %swap3A_242 = arith.constant 0 : index
    %swap3A_243 = tpu.vector_load %arg8[%swap3A_241, %swap3A_242] {strides = array<i32>} : memref<2x128xf32, #tpu.memory_space<vmem>>, vector<16xf32>,
    tpu.vector_store %arg8[%swap3A_241, %swap3A_242], %get3A_239 {strides = array<i32>} : memref<2x128xf32, #tpu.memory_space<vmem>>, vector<16xf32>,
    %get3A_244 = arith.constant 0 : i32
    %get3A_245 = arith.index_cast %get3A_244 : i32 to index
    %get3A_246 = arith.constant 16 : index
    %get3A_247 = tpu.vector_load %arg7[%get3A_245, %get3A_246] {strides = array<i32>} : memref<2x128xf32, #tpu.memory_space<vmem>>, vector<16xf32>,
    %swap3A_248 = arith.constant 0 : i32
    %swap3A_249 = arith.index_cast %swap3A_248 : i32 to index
    %swap3A_250 = arith.constant 16 : index
    %swap3A_251 = tpu.vector_load %arg8[%swap3A_249, %swap3A_250] {strides = array<i32>} : memref<2x128xf32, #tpu.memory_space<vmem>>, vector<16xf32>,
    tpu.vector_store %arg8[%swap3A_249, %swap3A_250], %get3A_247 {strides = array<i32>} : memref<2x128xf32, #tpu.memory_space<vmem>>, vector<16xf32>,
    %get3A_252 = arith.constant 1 : i32
    %get3A_253 = arith.index_cast %get3A_252 : i32 to index
    %get3A_254 = arith.constant 16 : index
    %get3A_255 = tpu.vector_load %arg7[%get3A_253, %get3A_254] {strides = array<i32>} : memref<2x128xf32, #tpu.memory_space<vmem>>, vector<16xf32>,
    %swap3A_256 = arith.constant 1 : i32
    %swap3A_257 = arith.index_cast %swap3A_256 : i32 to index
    %swap3A_258 = arith.constant 16 : index
    %swap3A_259 = tpu.vector_load %arg8[%swap3A_257, %swap3A_258] {strides = array<i32>} : memref<2x128xf32, #tpu.memory_space<vmem>>, vector<16xf32>,
    tpu.vector_store %arg8[%swap3A_257, %swap3A_258], %get3A_255 {strides = array<i32>} : memref<2x128xf32, #tpu.memory_space<vmem>>, vector<16xf32>,
    %get3A_260 = arith.constant 0 : i32
    %get3A_261 = arith.index_cast %get3A_260 : i32 to index
    %get3A_262 = arith.constant 32 : index
    %get3A_263 = tpu.vector_load %arg7[%get3A_261, %get3A_262] {strides = array<i32>} : memref<2x128xf32, #tpu.memory_space<vmem>>, vector<16xf32>,
    %swap3A_264 = arith.constant 0 : i32
    %swap3A_265 = arith.index_cast %swap3A_264 : i32 to index
    %swap3A_266 = arith.constant 32 : index
    %swap3A_267 = tpu.vector_load %arg8[%swap3A_265, %swap3A_266] {strides = array<i32>} : memref<2x128xf32, #tpu.memory_space<vmem>>, vector<16xf32>,
    tpu.vector_store %arg8[%swap3A_265, %swap3A_266], %get3A_263 {strides = array<i32>} : memref<2x128xf32, #tpu.memory_space<vmem>>, vector<16xf32>,
    %get3A_268 = arith.constant 1 : i32
    %get3A_269 = arith.index_cast %get3A_268 : i32 to index
    %get3A_270 = arith.constant 32 : index
    %get3A_271 = tpu.vector_load %arg7[%get3A_269, %get3A_270] {strides = array<i32>} : memref<2x128xf32, #tpu.memory_space<vmem>>, vector<16xf32>,
    %swap3A_272 = arith.constant 1 : i32
    %swap3A_273 = arith.index_cast %swap3A_272 : i32 to index
    %swap3A_274 = arith.constant 32 : index
    %swap3A_275 = tpu.vector_load %arg8[%swap3A_273, %swap3A_274] {strides = array<i32>} : memref<2x128xf32, #tpu.memory_space<vmem>>, vector<16xf32>,
    tpu.vector_store %arg8[%swap3A_273, %swap3A_274], %get3A_271 {strides = array<i32>} : memref<2x128xf32, #tpu.memory_space<vmem>>, vector<16xf32>,
    %get3A_276 = arith.constant 0 : i32
    %get3A_277 = arith.index_cast %get3A_276 : i32 to index
    %get3A_278 = arith.constant 48 : index
    %get3A_279 = tpu.vector_load %arg7[%get3A_277, %get3A_278] {strides = array<i32>} : memref<2x128xf32, #tpu.memory_space<vmem>>, vector<16xf32>,
    %swap3A_280 = arith.constant 0 : i32
    %swap3A_281 = arith.index_cast %swap3A_280 : i32 to index
    %swap3A_282 = arith.constant 48 : index
    %swap3A_283 = tpu.vector_load %arg8[%swap3A_281, %swap3A_282] {strides = array<i32>} : memref<2x128xf32, #tpu.memory_space<vmem>>, vector<16xf32>,
    tpu.vector_store %arg8[%swap3A_281, %swap3A_282], %get3A_279 {strides = array<i32>} : memref<2x128xf32, #tpu.memory_space<vmem>>, vector<16xf32>,
    %get3A_284 = arith.constant 1 : i32
    %get3A_285 = arith.index_cast %get3A_284 : i32 to index
    %get3A_286 = arith.constant 48 : index
    %get3A_287 = tpu.vector_load %arg7[%get3A_285, %get3A_286] {strides = array<i32>} : memref<2x128xf32, #tpu.memory_space<vmem>>, vector<16xf32>,
    %swap3A_288 = arith.constant 1 : i32
    %swap3A_289 = arith.index_cast %swap3A_288 : i32 to index
    %swap3A_290 = arith.constant 48 : index
    %swap3A_291 = tpu.vector_load %arg8[%swap3A_289, %swap3A_290] {strides = array<i32>} : memref<2x128xf32, #tpu.memory_space<vmem>>, vector<16xf32>,
    tpu.vector_store %arg8[%swap3A_289, %swap3A_290], %get3A_287 {strides = array<i32>} : memref<2x128xf32, #tpu.memory_space<vmem>>, vector<16xf32>,
    %get3A_292 = arith.constant 0 : i32
    %get3A_293 = arith.index_cast %get3A_292 : i32 to index
    %get3A_294 = arith.constant 64 : index
    %get3A_295 = tpu.vector_load %arg7[%get3A_293, %get3A_294] {strides = array<i32>} : memref<2x128xf32, #tpu.memory_space<vmem>>, vector<16xf32>,
    %swap3A_296 = arith.constant 0 : i32
    %swap3A_297 = arith.index_cast %swap3A_296 : i32 to index
    %swap3A_298 = arith.constant 64 : index
    %swap3A_299 = tpu.vector_load %arg8[%swap3A_297, %swap3A_298] {strides = array<i32>} : memref<2x128xf32, #tpu.memory_space<vmem>>, vector<16xf32>,
    tpu.vector_store %arg8[%swap3A_297, %swap3A_298], %get3A_295 {strides = array<i32>} : memref<2x128xf32, #tpu.memory_space<vmem>>, vector<16xf32>,
    %get3A_300 = arith.constant 1 : i32
    %get3A_301 = arith.index_cast %get3A_300 : i32 to index
    %get3A_302 = arith.constant 64 : index
    %get3A_303 = tpu.vector_load %arg7[%get3A_301, %get3A_302] {strides = array<i32>} : memref<2x128xf32, #tpu.memory_space<vmem>>, vector<16xf32>,
    %swap3A_304 = arith.constant 1 : i32
    %swap3A_305 = arith.index_cast %swap3A_304 : i32 to index
    %swap3A_306 = arith.constant 64 : index
    %swap3A_307 = tpu.vector_load %arg8[%swap3A_305, %swap3A_306] {strides = array<i32>} : memref<2x128xf32, #tpu.memory_space<vmem>>, vector<16xf32>,
    tpu.vector_store %arg8[%swap3A_305, %swap3A_306], %get3A_303 {strides = array<i32>} : memref<2x128xf32, #tpu.memory_space<vmem>>, vector<16xf32>,
    %get3A_308 = arith.constant 0 : i32
    %get3A_309 = arith.index_cast %get3A_308 : i32 to index
    %get3A_310 = arith.constant 80 : index
    %get3A_311 = tpu.vector_load %arg7[%get3A_309, %get3A_310] {strides = array<i32>} : memref<2x128xf32, #tpu.memory_space<vmem>>, vector<16xf32>,
    %swap3A_312 = arith.constant 0 : i32
    %swap3A_313 = arith.index_cast %swap3A_312 : i32 to index
    %swap3A_314 = arith.constant 80 : index
    %swap3A_315 = tpu.vector_load %arg8[%swap3A_313, %swap3A_314] {strides = array<i32>} : memref<2x128xf32, #tpu.memory_space<vmem>>, vector<16xf32>,
    tpu.vector_store %arg8[%swap3A_313, %swap3A_314], %get3A_311 {strides = array<i32>} : memref<2x128xf32, #tpu.memory_space<vmem>>, vector<16xf32>,
    %get3A_316 = arith.constant 1 : i32
    %get3A_317 = arith.index_cast %get3A_316 : i32 to index
    %get3A_318 = arith.constant 80 : index
    %get3A_319 = tpu.vector_load %arg7[%get3A_317, %get3A_318] {strides = array<i32>} : memref<2x128xf32, #tpu.memory_space<vmem>>, vector<16xf32>,
    %swap3A_320 = arith.constant 1 : i32
    %swap3A_321 = arith.index_cast %swap3A_320 : i32 to index
    %swap3A_322 = arith.constant 80 : index
    %swap3A_323 = tpu.vector_load %arg8[%swap3A_321, %swap3A_322] {strides = array<i32>} : memref<2x128xf32, #tpu.memory_space<vmem>>, vector<16xf32>,
    tpu.vector_store %arg8[%swap3A_321, %swap3A_322], %get3A_319 {strides = array<i32>} : memref<2x128xf32, #tpu.memory_space<vmem>>, vector<16xf32>,
    %get3A_324 = arith.constant 0 : i32
    %get3A_325 = arith.index_cast %get3A_324 : i32 to index
    %get3A_326 = arith.constant 96 : index
    %get3A_327 = tpu.vector_load %arg7[%get3A_325, %get3A_326] {strides = array<i32>} : memref<2x128xf32, #tpu.memory_space<vmem>>, vector<16xf32>,
    %swap3A_328 = arith.constant 0 : i32
    %swap3A_329 = arith.index_cast %swap3A_328 : i32 to index
    %swap3A_330 = arith.constant 96 : index
    %swap3A_331 = tpu.vector_load %arg8[%swap3A_329, %swap3A_330] {strides = array<i32>} : memref<2x128xf32, #tpu.memory_space<vmem>>, vector<16xf32>,
    tpu.vector_store %arg8[%swap3A_329, %swap3A_330], %get3A_327 {strides = array<i32>} : memref<2x128xf32, #tpu.memory_space<vmem>>, vector<16xf32>,
    %get3A_332 = arith.constant 1 : i32
    %get3A_333 = arith.index_cast %get3A_332 : i32 to index
    %get3A_334 = arith.constant 96 : index
    %get3A_335 = tpu.vector_load %arg7[%get3A_333, %get3A_334] {strides = array<i32>} : memref<2x128xf32, #tpu.memory_space<vmem>>, vector<16xf32>,
    %swap3A_336 = arith.constant 1 : i32
    %swap3A_337 = arith.index_cast %swap3A_336 : i32 to index
    %swap3A_338 = arith.constant 96 : index
    %swap3A_339 = tpu.vector_load %arg8[%swap3A_337, %swap3A_338] {strides = array<i32>} : memref<2x128xf32, #tpu.memory_space<vmem>>, vector<16xf32>,
    tpu.vector_store %arg8[%swap3A_337, %swap3A_338], %get3A_335 {strides = array<i32>} : memref<2x128xf32, #tpu.memory_space<vmem>>, vector<16xf32>,
    %get3A_340 = arith.constant 0 : i32
    %get3A_341 = arith.index_cast %get3A_340 : i32 to index
    %get3A_342 = arith.constant 112 : index
    %get3A_343 = tpu.vector_load %arg7[%get3A_341, %get3A_342] {strides = array<i32>} : memref<2x128xf32, #tpu.memory_space<vmem>>, vector<16xf32>,
    %swap3A_344 = arith.constant 0 : i32
    %swap3A_345 = arith.index_cast %swap3A_344 : i32 to index
    %swap3A_346 = arith.constant 112 : index
    %swap3A_347 = tpu.vector_load %arg8[%swap3A_345, %swap3A_346] {strides = array<i32>} : memref<2x128xf32, #tpu.memory_space<vmem>>, vector<16xf32>,
    tpu.vector_store %arg8[%swap3A_345, %swap3A_346], %get3A_343 {strides = array<i32>} : memref<2x128xf32, #tpu.memory_space<vmem>>, vector<16xf32>,
    %get3A_348 = arith.constant 1 : i32
    %get3A_349 = arith.index_cast %get3A_348 : i32 to index
    %get3A_350 = arith.constant 112 : index
    %get3A_351 = tpu.vector_load %arg7[%get3A_349, %get3A_350] {strides = array<i32>} : memref<2x128xf32, #tpu.memory_space<vmem>>, vector<16xf32>,
    %swap3A_352 = arith.constant 1 : i32
    %swap3A_353 = arith.index_cast %swap3A_352 : i32 to index
    %swap3A_354 = arith.constant 112 : index
    %swap3A_355 = tpu.vector_load %arg8[%swap3A_353, %swap3A_354] {strides = array<i32>} : memref<2x128xf32, #tpu.memory_space<vmem>>, vector<16xf32>,
    tpu.vector_store %arg8[%swap3A_353, %swap3A_354], %get3A_351 {strides = array<i32>} : memref<2x128xf32, #tpu.memory_space<vmem>>, vector<16xf32>,
    "tpu.region"() ({
      %run_scoped3A = tpu.sem_alloc : memref<!tpu.dma_semaphore, #tpu.memory_space<semaphore_mem>>
      %dma_start3A_356 = arith.constant 0 : i32
      %dma_start3A_357 = arith.constant 0 : i32
      %dma_start3A_358 = tpu.memref_slice %arg3[%add3A, %dma_start3A_356, %dma_start3A_357] : memref<32x2x128xf32, #tpu.memory_space<hbm>> -> memref<1x2x128xf32, #tpu.memory_space<hbm>>
      %dma_start3A_359 = tpu.memref_squeeze %dma_start3A_358 : memref<1x2x128xf32, #tpu.memory_space<hbm>> -> memref<2x128xf32, #tpu.memory_space<hbm>>
      %dma_start3A_360 = arith.constant 0 : i32
      %dma_start3A_361 = arith.constant 0 : i32
      %dma_start3A_362 = tpu.memref_slice %arg3[%add3A, %dma_start3A_360, %dma_start3A_361] : memref<32x2x128xf32, #tpu.memory_space<hbm>> -> memref<1x2x128xf32, #tpu.memory_space<hbm>>
      %dma_start3A_363 = tpu.memref_squeeze %dma_start3A_362 : memref<1x2x128xf32, #tpu.memory_space<hbm>> -> memref<2x128xf32, #tpu.memory_space<hbm>>
      tpu.enqueue_dma source(%arg8 : memref<2x128xf32, #tpu.memory_space<vmem>>) target(%dma_start3A_363 : memref<2x128xf32, #tpu.memory_space<hbm>>) target_semaphore(%run_scoped3A : memref<!tpu.dma_semaphore, #tpu.memory_space<semaphore_mem>>)
      %dma_wait3A = arith.constant 0 : i32
      %dma_wait3A_364 = arith.constant 0 : i32
      %dma_wait3A_365 = tpu.memref_slice %arg3[%add3A, %dma_wait3A, %dma_wait3A_364] : memref<32x2x128xf32, #tpu.memory_space<hbm>> -> memref<1x2x128xf32, #tpu.memory_space<hbm>>
      %dma_wait3A_366 = tpu.memref_squeeze %dma_wait3A_365 : memref<1x2x128xf32, #tpu.memory_space<hbm>> -> memref<2x128xf32, #tpu.memory_space<hbm>>
      %dma_wait3A_367 = arith.constant 0 : i32
      %dma_wait3A_368 = arith.constant 0 : i32
      %dma_wait3A_369 = tpu.memref_slice %arg3[%add3A, %dma_wait3A_367, %dma_wait3A_368] : memref<32x2x128xf32, #tpu.memory_space<hbm>> -> memref<1x2x128xf32, #tpu.memory_space<hbm>>
      %dma_wait3A_370 = tpu.memref_squeeze %dma_wait3A_369 : memref<1x2x128xf32, #tpu.memory_space<hbm>> -> memref<2x128xf32, #tpu.memory_space<hbm>>
      tpu.wait_dma2 semaphore(%run_scoped3A : memref<!tpu.dma_semaphore, #tpu.memory_space<semaphore_mem>>) src(%arg8 : memref<2x128xf32, #tpu.memory_space<vmem>>) dst(%dma_wait3A_370 : memref<2x128xf32, #tpu.memory_space<hbm>>)
      tpu.yield
    }) : () -> ()
    return
  }
}

module attributes {stable_mosaic.version = 14 : i64} {
  func.func @_tc_body(%arg0: i32, %arg1: memref<8x128xf32, #tpu.memory_space<vmem>>, %arg2: memref<800x128xf32, #tpu.memory_space<vmem>>, %arg3: memref<2x128xf32, #tpu.memory_space<vmem>>) attributes {dimension_semantics = [#tpu.dimension_semantics<arbitrary>], iteration_bounds = array<i64: 37>, scalar_prefetch = 0 : i64, scratch_operands = 0 : i64, tpu.core_type = #tpu.core_type<tc>, window_params = [{transform_indices = @transform_0, window_bounds = array<i64: 8, 128>}, {transform_indices = @transform_1, window_bounds = array<i64: 800, 128>}, {pipeline_mode = #tpu.pipeline_mode<synchronous>, transform_indices = @transform_2, window_bounds = array<i64: 2, 128>}]} {
    %get3A = arith.constant 0 : index
    %get3A_0 = arith.constant 0 : index
    %get3A_1 = vector.load %arg2[%get3A, %get3A_0] : memref<800x128xf32, #tpu.memory_space<vmem>>, vector<800x128xf32>
    %get3A_2 = arith.constant 1 : index
    %get3A_3 = arith.constant 0 : index
    %get3A_4 = vector.load %arg1[%get3A_2, %get3A_3] : memref<8x128xf32, #tpu.memory_space<vmem>>, vector<1x128xf32>
    %exp3A = math.exp %get3A_1 : vector<800x128xf32>
    %reduce_sum3A = arith.constant dense<0.000000e+00> : vector<128xf32>
    %reduce_sum3A_5 = vector.multi_reduction <add>, %exp3A, %reduce_sum3A [0] : vector<800x128xf32> to vector<128xf32>
    %broadcast_in_dim3A = vector.shape_cast %reduce_sum3A_5 : vector<128xf32> to vector<1x128xf32>
    %gt3A = vector.broadcast %get3A_4 : vector<1x128xf32> to vector<800x128xf32>
    %gt3A_6 = arith.cmpf ogt, %get3A_1, %gt3A : vector<800x128xf32>
    %jit3A = arith.constant 0.000000e+00 : f32
    %broadcast_in_dim3A_7 = vector.broadcast %jit3A : f32 to vector<800x128xf32>
    %select_n3A = arith.select %gt3A_6, %exp3A, %broadcast_in_dim3A_7 : vector<800x128xi1>, vector<800x128xf32>
    %reduce_sum3A_8 = arith.constant dense<0.000000e+00> : vector<128xf32>
    %reduce_sum3A_9 = vector.multi_reduction <add>, %select_n3A, %reduce_sum3A_8 [0] : vector<800x128xf32> to vector<128xf32>
    %broadcast_in_dim3A_10 = vector.shape_cast %reduce_sum3A_9 : vector<128xf32> to vector<1x128xf32>
    %concatenate3A = tpu.concatenate %broadcast_in_dim3A, %broadcast_in_dim3A_10 in 0 : vector<1x128xf32>, vector<1x128xf32> -> vector<2x128xf32>
    %eq3A = arith.constant 0 : i32
    %eq3A_11 = arith.cmpi eq, %arg0, %eq3A : i32
    %convert_element_type3A = arith.extui %eq3A_11 : i1 to i32
    %cond3A = arith.constant 0 : i32
    %cond3A_12 = arith.cmpi ne, %convert_element_type3A, %cond3A : i32
    scf.if %cond3A_12 {
      %swap3A = arith.constant 0 : index
      %swap3A_18 = arith.constant 0 : index
      %swap3A_19 = vector.load %arg3[%swap3A, %swap3A_18] : memref<2x128xf32, #tpu.memory_space<vmem>>, vector<2x128xf32>
      tpu.vector_store %arg3[%swap3A, %swap3A_18], %concatenate3A {strides = array<i32>} : memref<2x128xf32, #tpu.memory_space<vmem>>, vector<2x128xf32>,
    } else {
    }
    %gt3A_13 = arith.constant 0 : i32
    %gt3A_14 = arith.cmpi sgt, %arg0, %gt3A_13 : i32
    %convert_element_type3A_15 = arith.extui %gt3A_14 : i1 to i32
    %cond3A_16 = arith.constant 0 : i32
    %cond3A_17 = arith.cmpi ne, %convert_element_type3A_15, %cond3A_16 : i32
    scf.if %cond3A_17 {
      %get3A_18 = arith.constant 0 : index
      %get3A_19 = arith.constant 0 : index
      %get3A_20 = vector.load %arg3[%get3A_18, %get3A_19] : memref<2x128xf32, #tpu.memory_space<vmem>>, vector<2x128xf32>
      %add3A = arith.addf %get3A_20, %concatenate3A : vector<2x128xf32>
      %swap3A = arith.constant 0 : index
      %swap3A_21 = arith.constant 0 : index
      %swap3A_22 = vector.load %arg3[%swap3A, %swap3A_21] : memref<2x128xf32, #tpu.memory_space<vmem>>, vector<2x128xf32>
      tpu.vector_store %arg3[%swap3A, %swap3A_21], %add3A {strides = array<i32>} : memref<2x128xf32, #tpu.memory_space<vmem>>, vector<2x128xf32>,
    } else {
    }
    return
  }
  func.func @transform_0(%arg0: i32) -> (i32, i32) {
    %c0_i32 = arith.constant 0 : i32
    %c0_i32_0 = arith.constant 0 : i32
    %c0_i32_1 = arith.constant 0 : i32
    return %c0_i32, %c0_i32_0 : i32, i32
  }
  func.func @transform_1(%arg0: i32) -> (i32, i32) {
    %add3A = arith.constant 88 : i32
    %add3A_0 = arith.addi %arg0, %add3A : i32
    %c0_i32 = arith.constant 0 : i32
    %c0_i32_1 = arith.constant 0 : i32
    return %add3A_0, %c0_i32 : i32, i32
  }
  func.func @transform_2(%arg0: i32) -> (i32, i32) {
    %c0_i32 = arith.constant 0 : i32
    %c0_i32_0 = arith.constant 0 : i32
    %c0_i32_1 = arith.constant 0 : i32
    return %c0_i32, %c0_i32_0 : i32, i32
  }
}

</mosaic_0001>

<sc_bundles>
// kernel: kernel.4.cloned.1.call-start
scs
__scs_entry_jumppad:
0x0: {  	(pc) =	sbr.rel $0x88, $3  }
0x1: {  	(tag) =	ssettag $0x0;
	lr =	simm.s32 $0x1  }
0x2: {  	[smem:$0x3FA0] =	sst lr;
	_ =	strace $0xD0000000  }
0x3: {  	_ = 	snop  }
0x4: {  	_ = 	snop  }
0x5: {  	_ = 	snop  }
0x6: {  	_ = 	snop  }
0x7: {  	_ = 	snop  }
__scs_overlays_trampoline_lowered:
0x8: {  	[smem:$0x3FAF] =	sst s0  }
0x9: {  	[smem:$0x3FB0] =	sst s1  }
0xa: {  	[smem:$0x3FB1] =	sst s2  }
0xb: {  	[smem:$0x3FB2] =	sst s3  }
0xc: {  	[smem:$0x3FB3] =	sst s4  }
0xd: {  	[smem:$0x3FB4] =	sst s5  }
0xe: {  	[smem:$0x3FB5] =	sst s6  }
0xf: {  	[smem:$0x3FB6] =	sst s7  }
0x10: {  	[smem:$0x3FB7] =	sst s8  }
0x11: {  	[smem:$0x3FB8] =	sst s9;
	s0 =	simm.s32 @!p0 $0x0  }
0x12: {  	s1 =	sld [smem:$0x3F9E];
	s0 =	simm.s32 @p0 $0x1  }
0x13: {  	[smem:$0x3FB9] =	sst s0;
	s0 =	simm.s32 @!p1 $0x0  }
0x14: {  	s2 =	sld [smem:$0x3F9D];
	s0 =	simm.s32 @p1 $0x1  }
0x15: {  	[smem:$0x3FBA] =	sst s0;
	s0 =	simm.s32 @!p2 $0x0  }
0x16: {  	s3 =	sld [smem:$0x3FDB];
	s0 =	simm.s32 @p2 $0x1  }
0x17: {  	s4 =	simm.s32 $0x1BF5;
	[smem:$0x3FBC] =	sst s0  }
0x18: {  	s0 =	sld [smem:$0x3F9F];
	_ =	swait.ge [sflag:s4], $0x0  }
0x19: {  	s7 =	sld [smem:$0x3FA0]  }
0x1a: {  	s8 =	sadd.s32 $0xFFFFE003, lr  }
0x1b: {  	s9 =	sadd.s32 $0xFFFFFEF7, lr;
	s5 =	simm.s32 $0xFFFFFFFF;
	p2 =	slt.u32 s8, $0xFFFFF086  }
0x1c: {  	p1 =	slt.u32 s9, $0xF7A;
	s5 =	simm.s32 @!p2 $0x0  }
0x1d: {  	s5 =	simm.s32 @p1 $0x1;
	p0 =	seq.s32 s7, s2  }
0x1e: {  	s7 =	smul.u32 @!p0 $0xF7A, s2;
	p2 =	seq.s32 @!p0 s5, $0x0  }
0x1f: {  	s9 =	smul.u32 $0xF7A, s1;
	s8 =	simm.s32 @!p0 $0x1BF5;
	p2 =	por !p2, p0  }
0x20: {  	[sflag:s8] =	ssyncset.s32 @!p0 $0xFFFFF086;
	s6 =	sadd.s32 @!p0 s3, s7;
	s7 =	simm.s32 @!p0 $0x108  }
0x21: {  	s3 =	sadd.s32 s3, s9;
	s6 =	sadd.s32 @!p0 $0x88, s6;
	s7 =	simm.s32 @p2 $0x1082  }
0x22: {  	[simem:s7], [sflag:s8] =	dma.local @!p0 [hbm:s6], $0xF7A  }
0x23: {  	s9 =	sor.u32 $0xD0000000, s2;
	s6 =	simm.s32 $0x108;
	_ =	swait.ge @!p0 [sflag:s8], $0x0  }
0x24: {  	s3 =	sadd.s32 $0x88, s3;
	s6 =	simm.s32 @!p1 $0x1082;
	[sflag:s4] =	ssyncset.s32 $0xFFFFF086  }
0x25: {  	[simem:s6], [sflag:s4] =	dma.local [hbm:s3], $0xF7A  }
0x26: {  	[smem:$0x3FA0] =	sst s1;
	(tag) =	ssettag s2;
	_ =	strace s9  }
0x27: {  	s1 =	sld [smem:$0x3FB0]  }
0x28: {  	s2 =	sld [smem:$0x3FB1]  }
0x29: {  	s4 =	sld [smem:$0x3FB3]  }
0x2a: {  	p0 =	seq.s32 s5, $0x0;
	s5 =	sld [smem:$0x3FB4]  }
0x2b: {  	s6 =	sld [smem:$0x3FB5]  }
0x2c: {  	s7 =	sld [smem:$0x3FB6]  }
0x2d: {  	s3 =	simm.s32 $0x108;
	s8 =	sld [smem:$0x3FB7]  }
0x2e: {  	s3 =	simm.s32 @!p0 $0x1082;
	s9 =	sld [smem:$0x3FB8]  }
0x2f: {  	lr =	sadd.s32 s0, s3;
	s0 =	sld [smem:$0x3FAF]  }
0x30: {  	s3 =	sld [smem:$0x3FB2]  }
0x31: {  	[smem:$0x3FBB] =	sst s10  }
0x32: {  	s10 =	sld [smem:$0x3FB9];
	_ =	sdelay $0x3  }
0x33: {  	p0 =	seq.s32 s10, $0x1;
	s10 =	sld [smem:$0x3FBB];
	_ =	sdelay $0x3  }
0x34: {  	[smem:$0x3FBB] =	sst s10  }
0x35: {  	s10 =	sld [smem:$0x3FBA];
	_ =	sdelay $0x3  }
0x36: {  	p1 =	seq.s32 s10, $0x1;
	s10 =	sld [smem:$0x3FBB];
	_ =	sdelay $0x3  }
0x37: {  	[smem:$0x3FBB] =	sst s10  }
0x38: {  	s10 =	sld [smem:$0x3FBC]  }
0x39: {  	_ = 	snop;
	(pc) =	sbr.ind lr, $3  }
0x3a: {  	_ = 	snop  }
0x3b: {  	_ = 	snop  }
0x3c: {  	p2 =	seq.s32 s10, $0x1;
	s10 =	sld [smem:$0x3FBB]  }
0x3d: {  	_ =	shalt  }
0x3e: {  	_ =	shalt  }
0x3f: {  	_ =	shalt  }
0x40: {  	_ =	shalt  }
0x41: {  	_ =	shalt  }
0x42: {  	_ =	shalt  }
0x43: {  	_ =	shalt  }
0x44: {  	_ =	shalt  }
0x45: {  	_ =	shalt  }
0x46: {  	_ =	shalt  }
0x47: {  	_ =	shalt  }
0x48: {  	_ =	shalt  }
0x49: {  	_ =	shalt  }
0x4a: {  	_ =	shalt  }
0x4b: {  	_ =	shalt  }
0x4c: {  	_ =	shalt  }
0x4d: {  	_ =	shalt  }
0x4e: {  	_ =	shalt  }
0x4f: {  	_ =	shalt  }
0x50: {  	_ =	shalt  }
0x51: {  	_ =	shalt  }
0x52: {  	_ =	shalt  }
0x53: {  	_ =	shalt  }
0x54: {  	_ =	shalt  }
0x55: {  	_ =	shalt  }
0x56: {  	_ =	shalt  }
0x57: {  	_ =	shalt  }
0x58: {  	_ =	shalt  }
0x59: {  	_ =	shalt  }
0x5a: {  	_ =	shalt  }
0x5b: {  	_ =	shalt  }
0x5c: {  	_ =	shalt  }
0x5d: {  	_ =	shalt  }
0x5e: {  	_ =	shalt  }
0x5f: {  	_ =	shalt  }
0x60: {  	_ =	shalt  }
0x61: {  	_ =	shalt  }
0x62: {  	_ =	shalt  }
0x63: {  	_ =	shalt  }
0x64: {  	_ =	shalt  }
0x65: {  	_ =	shalt  }
0x66: {  	_ =	shalt  }
0x67: {  	_ =	shalt  }
0x68: {  	_ =	shalt  }
0x69: {  	_ =	shalt  }
0x6a: {  	_ =	shalt  }
0x6b: {  	_ =	shalt  }
0x6c: {  	_ =	shalt  }
0x6d: {  	_ =	shalt  }
0x6e: {  	_ =	shalt  }
0x6f: {  	_ =	shalt  }
0x70: {  	_ =	shalt  }
0x71: {  	_ =	shalt  }
0x72: {  	_ =	shalt  }
0x73: {  	_ =	shalt  }
0x74: {  	_ =	shalt  }
0x75: {  	_ =	shalt  }
0x76: {  	_ =	shalt  }
0x77: {  	_ =	shalt  }
0x78: {  	_ =	shalt  }
0x79: {  	_ =	shalt  }
0x7a: {  	_ =	shalt  }
0x7b: {  	_ =	shalt  }
0x7c: {  	_ =	shalt  }
0x7d: {  	_ =	shalt  }
0x7e: {  	_ =	shalt  }
0x7f: {  	_ =	shalt  }
0x80: {  	_ =	shalt  }
0x81: {  	_ =	shalt  }
0x82: {  	_ =	shalt  }
0x83: {  	_ =	shalt  }
0x84: {  	_ =	shalt  }
0x85: {  	_ =	shalt  }
0x86: {  	_ =	shalt  }
0x87: {  	_ =	shalt  }
.Lfunc_end0:
.L_simem_size_0:
called_computation_lowered:
.L_overlay_start_0:
0x88: {  	s2 =	sld [smem:$0x3FD9]  }
0x89: {  	s3 =	sld [smem:$0x3FFE];
	_ =	sdelay $0x1  }
0x8a: {  	s1 =	srdreg.scid  }
0x8b: {  	s0 =	sand.u32 $0x1, s1  }
0x8c: {  	s17 =	sshll.u32 s0, $0xA;
	s2 =	sadd.s32 s3, s2  }
0x8d: {  	s2 =	sadd.s32 s2, s17  }
0x8e: {  	[smem:$0x3FC7] =	sst s2  }
0x8f: {  	_ = 	snop  }
0x90: {  	s2 =	sld [smem:$0x3FC9];
	(tm) =	ssettm $0x1  }
0x91: {  	s18 =	sld [smem:$0x3FFB];
	_ =	sdelay $0x3  }
0x92: {  	_ =	strace s18  }
0x93: {  	s3 =	sld [smem:$0x3FFC];
	_ =	sdelay $0x3  }
0x94: {  	_ =	strace s3  }
0x95: {  	s3 =	sld [smem:$0x3FFD];
	_ =	sdelay $0x3  }
0x96: {  	_ =	strace s3  }
0x97: {  	_ =	strace $0x8FFFFFFF  }
0x98: {  	s19 =	sld [smem:$0x3FDB];
	_ =	sdelay $0x1  }
0x99: {  	s4 =	simm.s32 $_scs_section_size  }
0x9a: {  	s5 =	simm.s32 $_size__tile_overlayer_lowered;
	s6 =	simm.s32 $_tile_overlayer_lowered  }
0x9b: {  	s22 =	simm.s32 $0x1BFF;
	s21 =	sshll.u32 s6, $0x1;
	s3 =	sadd.s32 s4, s19  }
0x9c: {  	s7 =	simm.s32 $0x0;
	s20 =	sshll.u32 s5, $0x1;
	s5 =	sadd.s32 s21, s3  }
0x9d: {  	[timem:s7], [sflag:s22] =	dma.local [hbm:s5], s20  }
0x9e: {  	_ =	swait.ge [sflag:s22], s20  }
0x9f: {  	s4 =	ssub.s32 $0x0, s20;
	[sflag:s22] =	ssyncset.done $0x0  }
0xa0: {  	[sflag:s22] =	ssyncadd.s32 s4;
	_ =	sdelay $0x1  }
0xa1: {  	s23 =	simm.s32 $0x1B8B  }
0xa2: {  	_ =	swait.ge [sflag:s23], $0x1  }
0xa3: {  	[sflag:s23] =	ssyncset.done $0x0  }
0xa4: {  	s25 =	simm.s32 $0x1B8E;
	s24 =	sld [smem:$0x3FFE];
	[sflag:s23] =	ssyncadd.s32 $0xFFFFFFFF  }
0xa5: {  	s26 =	simm.s32 $execute0_lowered;
	[smem:$0x3FD2] =	sst s25  }
0xa6: {  	s5 =	sshll.u32 s26, $0x1;
	_ =	strace $0x80000046;
	[dreg:$0x1] =	wrdreg $0xFFFFFFFF  }
0xa7: {  	s28 =	simm.s32 $_size_execute0_lowered;
	s3 =	sadd.s32 s3, s5;
	[dreg:$0x0] =	wrdreg $0x0  }
0xa8: {  	s5 =	sshll.u32 s28, $0x1;
	[dreg:$0x2] =	wrdreg s3  }
0xa9: {  	[dreg:$0x3] =	wrdreg s5  }
0xaa: {  	[dreg:$0x4] =	wrdreg $0xC0  }
0xab: {  	_ =	task [dreg:s7], $0x5FFFF  }
0xac: {  	[dreg:$0x1] =	wrdreg $0xFFFFFFFF  }
0xad: {  	[dreg:$0x0] =	wrdreg $0x60  }
0xae: {  	[dreg:$0x2] =	wrdreg s2  }
0xaf: {  	[dreg:$0x3] =	wrdreg s24  }
0xb0: {  	[dreg:$0x4] =	wrdreg $0x9  }
0xb1: {  	_ =	task.clear_ibuf [dreg:s7], $0x5FFFF;
	_ =	strace $0x90000046  }
0xb2: {  	s29 =	simm.s32 $0x9;
	_ =	strace $0x80000048  }
0xb3: {  	_ =	swait.ge [sflag:s29], $0x1  }
0xb4: {  	[sflag:s29] =	ssyncadd.s32 $0xFFFFFFFF  }
0xb5: {  	_ =	strace $0x90000048  }
0xb6: {  	_ =	sfence  }
0xb7: {  	s30 =	sld [smem:$0x0];
	_ =	sdelay $0x2  }
0xb8: {  	s31 =	sshll.u32 s1, $0xD;
	s1 =	sshrl.u32 s1, $0x2  }
0xb9: {  	s3 =	sand.u32 $0x4000, s31;
	s1 =	sadd.s32 s1, s30  }
0xba: {  	s0 =	sor.u32 s3, s0;
	s1 =	sshll.u32 s1, $0x11  }
0xbb: {  	s0 =	sor.u32 s1, s0  }
0xbc: {  	s0 =	sadd.s32 $0x8F2B, s0  }
0xbd: {  	[sflag:s0] =	ssyncadd.remote.s32 $0x1  }
0xbe: {  	_ =	sfence.sel $0xFFFF  }
0xbf: {  	[dreg:$0x0] =	wrdreg $0xFFFFFFFF;
	(pc) =	sbr.abs _section_cstart, $3  }
0xc0: {  	[dreg:$0x1] =	wrdreg $0xFFFFFFFF  }
0xc1: {  	_ =	task.clear_ibuf [dreg:s7], $0x2FFFF;
	_ =	strace $0x9FFFFFFF  }
0xc2: {  	(tm) =	ssettm $0x7FFFFFFF  }
0xc3: {  	_ =	shalt  }
tec
execute0_lowered:
.L_overlay_start_1:
0x0: {  	(tag) =	ssettag $0x1  }
0x1: {  	s2 =	rddreg [dreg:$0x0]  }
0x2: {  	s4 =	rddreg [dreg:$0x1]  }
0x3: {  	s0 =	rddreg [dreg:$0x2]  }
0x4: {  	s5 =	srdreg.scid;
	s1 =	stileid.u32  }
0x5: {  	s3 =	simm.s32 $0x0;
	s12 =	simm.f32 $1.000000000e+00;
	s10 =	simm.s32 $0x3  }
0x6: {  	s11 =	simm.s32 $0x1;
	s13 =	simm.s32 $0xCD00;
	s14 =	simm.s32 $0x0  }
0x7: {  	s5 =	sand.u32 $0x1, s5;
	s6 =	sshll.u32 s1, $0x1;
	[smem:$0x7FF] =	sst s3  }
0x8: {  	s6 =	sor.u32 s5, s6;
	_ =	strace $0x80000047;
	s5 =	ssub.s32 $0x2, s5  }
.Ltmp0:
0x9: {  	s7 =	sshll.u32 s6, $0x5;
	s8 =	sshrl.u32 s5, $0x1;
	(pc) =	sbr.rel .LBB2_1-.Ltmp0, $4  }
0xa: {  	s9 =	smul.u32 $0x8980, s6;
	p0 =	seq.s32 s6, $0x0;
	s7 =	sadd.s32 s7, s4  }
0xb: {  	s4 =	smul.u32 $0xB, s6;
	s8 =	ssub.s32 s5, s8;
	s12 =	simm.s32 @!p0 $0x0  }
0xc: {  	s5 =	sadd.s32 s2, s9;
	s7 =	sadd.s32 $0x200, s7;
	s8 =	smax.u32 s8, $0x1  }
0xd: {  	v1 =	vimm.f32 $0.0e+00;
	s9 =	simm.s32 $0xC800;
	v0 =	vmov s12;
	s12 =	simm.s32 $0x2;
	s6 =	sadd.s32 $0x2, s4  }
.LBB2_9:
0xe: {  	v2 =	vld [tilespmem:$0xCC00]  }
0xf: {  	v3 =	vld [tilespmem:$0xCC80]  }
0x10: {  	v4 =	vld [tilespmem:$0xCC10]  }
0x11: {  	v5 =	vld [tilespmem:$0xCC90]  }
0x12: {  	v6 =	vld [tilespmem:$0xCC20]  }
0x13: {  	[tilespmem:$0xCD00] =	vst v2;
	v2 =	vld [tilespmem:$0xCCA0]  }
0x14: {  	v58 =	vld [tilespmem:$0xCCB0];
	[tilespmem:$0xCD80] =	vst v3  }
0x15: {  	v59 =	vld [tilespmem:$0xCC40];
	[tilespmem:$0xCD10] =	vst v4  }
0x16: {  	v60 =	vld [tilespmem:$0xCCC0];
	[tilespmem:$0xCD90] =	vst v5  }
0x17: {  	v3 =	vld [tilespmem:$0xCC30];
	[tilespmem:$0xCD20] =	vst v6  }
0x18: {  	[tilespmem:$0xCDA0] =	vst v2;
	v2 =	vld [tilespmem:$0xCC50]  }
0x19: {  	v61 =	vld [tilespmem:$0xCC60];
	[tilespmem:$0xCDB0] =	vst v58  }
0x1a: {  	v62 =	vld [tilespmem:$0xCCE0];
	[tilespmem:$0xCD40] =	vst v59  }
0x1b: {  	v63 =	vld [tilespmem:$0xCC70];
	[tilespmem:$0xCDC0] =	vst v60  }
0x1c: {  	[tilespmem:$0xCD30] =	vst v3;
	v3 =	vld [tilespmem:$0xCCD0]  }
0x1d: {  	[tilespmem:$0xCD50] =	vst v2;
	v2 =	vld [tilespmem:$0xCCF0]  }
0x1e: {  	[tilespmem:$0xCD60] =	vst v61  }
0x1f: {  	[tilespmem:$0xCDE0] =	vst v62  }
0x20: {  	s14 =	sadd.s32 $0x1, s14;
	[tilespmem:$0xCD70] =	vst v63  }
0x21: {  	p0 =	sne.s32 s14, s8;
	[tilespmem:$0xCDD0] =	vst v3  }
.Ltmp1:
0x22: {  	[tilespmem:$0xCDF0] =	vst v2;
	(pc) =	sbr.rel @!p0 .LBB2_10-.Ltmp1, $4  }
0x23: {  	[hbm4b:s7+s3] =	stream.linear.scatter [tilespmem:s13], [sflag:$0x3], $0x100, $0x38;
	[tilespmem:$0xCE00] =	vst v63  }
0x24: {  	_ =	swait.ge [sflag:s10], $0x100  }
0x25: {  	[sflag:s10] =	ssyncset.done $0x0  }
0x26: {  	[sflag:s10] =	ssyncadd.s32 $0xFFFFFF00  }
.LBB2_1:
0x27: {  	[tilespmem:s3], [sflag:$0x1] =	stream.linear.gather [hbm4b:s5+s3], $0x6400, $0x38;
	[tilespmem:$0xCE00] =	vst v63  }
0x28: {  	_ = 	snop  }
0x29: {  	[tilespmem:s9], [sflag:$0x3] =	stream.linear.gather [hbm4b:s2+s3], $0x400, $0x38;
	[tilespmem:$0xCE00] =	vst v63  }
0x2a: {  	_ =	swait.ge [sflag:s10], $0x400  }
0x2b: {  	[sflag:s10] =	ssyncset.done $0x0  }
0x2c: {  	[sflag:s10] =	ssyncadd.s32 $0xFFFFFC00  }
0x2d: {  	v2 =	vld [tilespmem:$0xC880];
	_ =	sdelay $0x2  }
0x2e: {  	v3 =	vld [tilespmem:$0xC890];
	_ =	sdelay $0x1  }
0x2f: {  	v4 =	vld [tilespmem:$0xC8A0];
	v6 =	vmul.f32 $1.442695020e+00, v2;
	_ =	sdelay $0x1  }
0x30: {  	v5 =	vld [tilespmem:$0xC8B0];
	(erf) = vpow2.f32 v6  }
0x31: {  	v7 =	vmul.f32 $1.442695020e+00, v3  }
0x32: {  	v6 =	vld [tilespmem:$0xC8C0]  }
0x33: {  	v8 =	vld [tilespmem:$0xC8E0];
	v9 =	vmul.f32 $1.442695020e+00, v4;
	(erf) = vpow2.f32 v7  }
0x34: {  	v7 =	vld [tilespmem:$0xC8D0]  }
0x35: {  	v10 =	vld [tilespmem:$0xC800];
	(erf) = vpow2.f32 v9;
	v9 =	vmul.f32 $1.442695020e+00, v5;
	_ =	sdelay $0x1  }
0x36: {  	(erf) = vpow2.f32 v9;
	v9 =	vld [tilespmem:$0xC8F0];
	v11 =	vmul.f32 $1.442695020e+00, v6;
	_ =	sdelay $0x1  }
0x37: {  	v13 =	vpop (erf);
	(erf) = vpow2.f32 v11;
	v11 =	vmul.f32 $1.442695020e+00, v7  }
0x38: {  	v12 =	vld [tilespmem:$0xC810];
	vm0 =	veq.f32 v10, v2;
	v10 =	vmul.f32 $1.442695020e+00, v8  }
0x39: {  	(erf) = vpow2.f32 v11  }
0x3a: {  	v15 =	vld [tilespmem:$0xC820];
	v14 =	vadd.f32 v13, v13;
	v48 =	vpop (erf);
	(erf) = vpow2.f32 v10;
	v10 =	vmul.f32 $1.442695020e+00, v9  }
0x3b: {  	v49 =	vld [tilespmem:$0xC830]  }
0x3c: {  	v16 =	vadd.f32 v48, v48;
	v11 =	vsel vm0, v14, v13  }
0x3d: {  	v17 =	vld [tilespmem:$0xC840];
	[tilespmem:$0xCC00] =	vst v1;
	vm9 =	veq.f32 v12, v3;
	v50 =	vpop (erf);
	v11 =	vmul.f32 v11, v0;
	(erf) = vpow2.f32 v10  }
0x3e: {  	[tilespmem:$0xCC10] =	vst v1;
	v51 =	vadd.f32 v50, v50;
	v13 =	vsel vm9, v16, v48;
	v10 =	vpop (erf)  }
0x3f: {  	v52 =	vld [tilespmem:$0xC850];
	vm10 =	veq.f32 v15, v4;
	[tilespmem:$0xCC80] =	vst v11;
	v11 =	vmul.f32 v13, v0;
	v53 =	vadd.f32 v10, v10  }
0x40: {  	[tilespmem:$0xCC20] =	vst v1;
	vm11 =	veq.f32 v49, v5;
	v12 =	vsel vm10, v51, v50;
	v54 =	vpop (erf)  }
0x41: {  	v55 =	vld [tilespmem:$0xC860];
	[tilespmem:$0xCC90] =	vst v11;
	v11 =	vmul.f32 v12, v0;
	v10 =	vsel vm11, v53, v10;
	v56 =	vadd.f32 v54, v54  }
0x42: {  	[tilespmem:$0xCC30] =	vst v1;
	vm12 =	veq.f32 v17, v6;
	v57 =	vpop (erf);
	v10 =	vmul.f32 v10, v0  }
0x43: {  	[tilespmem:$0xCCA0] =	vst v11;
	v11 =	vld [tilespmem:$0xC870];
	v14 =	vsel vm12, v56, v54;
	v58 =	vadd.f32 v57, v57  }
0x44: {  	vm13 =	veq.f32 v52, v7;
	v59 =	vpop (erf);
	[tilespmem:$0xCCB0] =	vst v10;
	v10 =	vmul.f32 v14, v0  }
0x45: {  	[tilespmem:$0xCC40] =	vst v1;
	v60 =	vadd.f32 v59, v59;
	v13 =	vsel vm13, v58, v57  }
0x46: {  	vm14 =	veq.f32 v55, v8;
	v61 =	vpop (erf);
	[tilespmem:$0xCCC0] =	vst v10;
	v10 =	vmul.f32 v13, v0  }
0x47: {  	[tilespmem:$0xCC50] =	vst v1;
	v62 =	vsel vm14, v60, v59;
	v63 =	vadd.f32 v61, v61  }
.Ltmp2:
0x48: {  	vm15 =	veq.f32 v11, v9;
	[tilespmem:$0xCCD0] =	vst v10;
	v10 =	vmul.f32 v62, v0;
	(pc) =	sbr.rel .LBB2_2-.Ltmp2, $4  }
0x49: {  	[tilespmem:$0xCC60] =	vst v1;
	v11 =	vsel vm15, v63, v61  }
0x4a: {  	[tilespmem:$0xCCE0] =	vst v10;
	v10 =	vmul.f32 v11, v0  }
0x4b: {  	[tilespmem:$0xCC70] =	vst v1  }
0x4c: {  	s15 =	simm.s32 $0x0;
	[tilespmem:$0xCCF0] =	vst v10  }
.LBB2_8:
0x4d: {  	s15 =	sadd.s32 $0x1, s15  }
0x4e: {  	p0 =	sne.s32 s15, $0x6  }
.Ltmp3:
0x4f: {  	_ = 	snop;
	(pc) =	sbr.rel @!p0 .LBB2_9-.Ltmp3, $1  }
0x50: {  	_ =	sdelay $0x3  }
.LBB2_2:
0x51: {  	s16 =	sshllo.u32 s15, $0x1  }
0x52: {  	p0 =	sgt.u32 s16, $0xA  }
0x53: {  	s16 =	sadd.s32 @!p0 s4, s16  }
0x54: {  	s16 =	smul.u32 @!p0 $0xC80, s16;
	_ =	sdelay $0x1  }
0x55: {  	s17 =	simm.s32 @!p0 $0x0;
	s18 =	simm.s32 @!p0 $0x6400;
	s16 =	sadd.s32 @!p0 s2, s16  }
0x56: {  	[tilespmem:s18], [sflag:$0x2] =	stream.linear.gather @!p0 [hbm4b:s16+s17], $0x6400, $0x38;
	[tilespmem:$0xCE00] =	vst v63  }
0x57: {  	_ =	swait.ge [sflag:s11], $0x6400  }
0x58: {  	[sflag:s11] =	ssyncset.done $0x0  }
0x59: {  	s30 =	simm.s32 $0x0;
	[sflag:s11] =	ssyncadd.s32 $0xFFFF9C00  }
0x5a: {  	v10 =	vld [tilespmem:s30+$0x70]  }
0x5b: {  	v11 =	vld [tilespmem:s30+$0x60]  }
0x5c: {  	v12 =	vld [tilespmem:s30+$0x20]  }
0x5d: {  	v14 =	vld [tilespmem:s30+$0x40]  }
0x5e: {  	v16 =	vld [tilespmem:s30+$0x50]  }
0x5f: {  	s31 =	simm.s32 $0x80;
	v18 =	vld [tilespmem:s30+$0x30]  }
0x60: {  	v25 =	vld [tilespmem:s31+$0x20]  }
0x61: {  	v17 =	vld [tilespmem:s30+$0x0];
	v13 =	vmul.f32 $1.442695020e+00, v10  }
0x62: {  	v15 =	vmul.f32 $1.442695020e+00, v11  }
0x63: {  	v28 =	vld [tilespmem:s31+$0x0];
	(erf) = vpow2.f32 v13  }
0x64: {  	v22 =	vimm.f32 $0.0e+00;
	v19 =	vmul.f32 $1.442695020e+00, v12;
	v13 =	vld [tilespmem:s30+$0x10];
	(erf) = vpow2.f32 v15  }
0x65: {  	v29 =	vld [tilespmem:s31+$0x10];
	v20 =	vmul.f32 $1.442695020e+00, v14;
	vm1 =	vgt.f32 v18, v5;
	v37 =	vmul.f32 $1.442695020e+00, v25  }
0x66: {  	v30 =	vld [tilespmem:s31+$0x30];
	vm2 =	vgt.f32 v17, v2;
	v15 =	vmul.f32 $1.442695020e+00, v16;
	(erf) = vpow2.f32 v19  }
0x67: {  	vm4 =	vgt.f32 v16, v7;
	v16 =	vld [tilespmem:s31+$0x40];
	v19 =	vmul.f32 $1.442695020e+00, v17;
	(erf) = vpow2.f32 v20  }
0x68: {  	vm3 =	vgt.f32 v14, v6;
	v20 =	vmul.f32 $1.442695020e+00, v18;
	(erf) = vpow2.f32 v15;
	v15 =	vld [tilespmem:s31+$0x70]  }
0x69: {  	v21 =	vmul.f32 $1.442695020e+00, v13;
	(erf) = vpow2.f32 v19;
	vm0 =	vgt.f32 v13, v3;
	v13 =	vld [tilespmem:s31+$0x50]  }
0x6a: {  	vm5 =	vgt.f32 v11, v8;
	v36 =	vmul.f32 $1.442695020e+00, v28;
	(erf) = vpow2.f32 v20;
	v20 =	vld [tilespmem:s31+$0x60]  }
0x6b: {  	vm6 =	vgt.f32 v10, v9;
	v34 =	vmul.f32 $1.442695020e+00, v29;
	v39 =	vmul.f32 $1.442695020e+00, v30  }
0x6c: {  	vm7 =	vgt.f32 v12, v4;
	v32 =	vmul.f32 $1.442695020e+00, v16;
	(erf) = vpow2.f32 v21;
	v11 =	vpop (erf)  }
0x6d: {  	v31 =	vmul.f32 $1.442695020e+00, v15;
	v10 =	vadd.f32 v11, v22;
	v11 =	vnsel vm6, $0x0, v11;
	v14 =	vpop (erf)  }
0x6e: {  	v21 =	vmul.f32 $1.442695020e+00, v13;
	v12 =	vadd.f32 v14, v22;
	v14 =	vnsel vm5, $0x0, v14  }
0x6f: {  	v11 =	vadd.f32 v11, v22;
	v17 =	vpop (erf);
	v27 =	vmul.f32 $1.442695020e+00, v20;
	(erf) = vpow2.f32 v31  }
0x70: {  	v23 =	vadd.f32 v17, v22;
	v17 =	vnsel vm7, $0x0, v17;
	v14 =	vadd.f32 v14, v22;
	v18 =	vpop (erf)  }
0x71: {  	v24 =	vadd.f32 v17, v22;
	v17 =	vnsel vm3, $0x0, v18;
	v26 =	vpop (erf);
	v19 =	vadd.f32 v18, v22  }
0x72: {  	(erf) = vpow2.f32 v27;
	v17 =	vadd.f32 v17, v22;
	v33 =	vnsel vm4, $0x0, v26;
	v35 =	vpop (erf)  }
0x73: {  	v18 =	vadd.f32 v26, v22;
	(erf) = vpow2.f32 v37;
	v27 =	vadd.f32 v35, v22  }
0x74: {  	v31 =	vpop (erf);
	(erf) = vpow2.f32 v32;
	v38 =	vnsel vm2, $0x0, v35;
	v32 =	vimm.f32 $0.0e+00  }
0x75: {  	v26 =	vadd.f32 v31, v22;
	v35 =	vnsel vm1, $0x0, v31;
	(erf) = vpow2.f32 v21  }
0x76: {  	s16 =	sshll.u32 s15, $0x1;
	s17 =	simm.s32 $0x400;
	v21 =	vadd.f32 v33, v22;
	v37 =	vpop (erf);
	v33 =	vimm.f32 $0.0e+00;
	v31 =	vimm.f32 $0.0e+00  }
.LBB2_3:
0x77: {  	s18 =	sshra.s32 s17, $0x2;
	p1 =	sne.s32 s17, $0x18E00;
	s17 =	sadd.s32 $0x200, s17;
	(erf) = vpow2.f32 v36;
	v22 =	vadd.f32 v38, v22;
	v33 =	vadd.f32 v37, v33  }
0x78: {  	v37 =	vnsel vm0, $0x0, v37;
	v32 =	vadd.f32 v35, v32;
	v36 =	vld [tilespmem:s18+$0x70];
	(erf) = vpow2.f32 v39  }
0x79: {  	vm0 =	vgt.f32 v29, v3;
	vm1 =	vgt.f32 v30, v5;
	v31 =	vadd.f32 v37, v31;
	v35 =	vld [tilespmem:s18+$0x60]  }
0x7a: {  	vm2 =	vgt.f32 v28, v2;
	vm4 =	vgt.f32 v16, v6;
	vm3 =	vgt.f32 v13, v7;
	v13 =	vld [tilespmem:s18+$0x50]  }
0x7b: {  	vm5 =	vgt.f32 v20, v8;
	vm6 =	vgt.f32 v15, v9;
	v16 =	vld [tilespmem:s18+$0x40];
	(erf) = vpow2.f32 v34;
	v15 =	vpop (erf)  }
0x7c: {  	vm7 =	vgt.f32 v25, v4;
	v10 =	vadd.f32 v15, v10;
	v28 =	vnsel vm6, $0x0, v15;
	v20 =	vpop (erf)  }
0x7d: {  	v25 =	vld [tilespmem:s18+$0x20];
	v12 =	vadd.f32 v20, v12;
	v29 =	vnsel vm5, $0x0, v20;
	v11 =	vadd.f32 v28, v11;
	v15 =	vpop (erf)  }
0x7e: {  	v28 =	vld [tilespmem:s18+$0x0];
	v23 =	vadd.f32 v15, v23;
	v15 =	vnsel vm7, $0x0, v15;
	v14 =	vadd.f32 v29, v14;
	v20 =	vpop (erf)  }
0x7f: {  	v29 =	vld [tilespmem:s18+$0x10];
	v40 =	vmul.f32 $1.442695020e+00, v13;
	v24 =	vadd.f32 v15, v24;
	v15 =	vnsel vm4, $0x0, v20;
	v34 =	vpop (erf)  }
0x80: {  	v38 =	vmul.f32 $1.442695020e+00, v36;
	v37 =	vmul.f32 $1.442695020e+00, v35;
	v19 =	vadd.f32 v20, v19;
	v39 =	vpop (erf)  }
0x81: {  	v41 =	vmul.f32 $1.442695020e+00, v16;
	v17 =	vadd.f32 v15, v17;
	v42 =	vnsel vm3, $0x0, v34;
	v30 =	vld [tilespmem:s18+$0x30];
	v43 =	vpop (erf)  }
.Ltmp4:
0x82: {  	v20 =	vmovc v35;
	v18 =	vadd.f32 v34, v18;
	v44 =	vmul.f32 $1.442695020e+00, v25;
	(erf) = vpow2.f32 v38;
	v15 =	vmovc v36;
	(pc) =	sbr.rel @p1 .LBB2_3-.Ltmp4, $4  }
0x83: {  	v27 =	vadd.f32 v39, v27;
	v36 =	vmul.f32 $1.442695020e+00, v28;
	(erf) = vpow2.f32 v37  }
0x84: {  	v26 =	vadd.f32 v43, v26;
	v34 =	vmul.f32 $1.442695020e+00, v29;
	(erf) = vpow2.f32 v44;
	v37 =	vpop (erf)  }
0x85: {  	v38 =	vnsel vm2, $0x0, v39;
	v35 =	vnsel vm1, $0x0, v43;
	(erf) = vpow2.f32 v41  }
0x86: {  	v21 =	vadd.f32 v42, v21;
	v39 =	vmul.f32 $1.442695020e+00, v30;
	(erf) = vpow2.f32 v40  }
0x87: {  	(erf) = vpow2.f32 v36;
	_ =	sdelay $0x1  }
0x88: {  	v55 =	vnsel vm0, $0x0, v37;
	(erf) = vpow2.f32 v39  }
0x89: {  	v58 =	vadd.f32 v55, v31;
	v55 =	vld [tilespmem:$0xCC60];
	(erf) = vpow2.f32 v34  }
0x8a: {  	v60 =	vld [tilespmem:$0xCC20];
	v34 =	vpop (erf)  }
0x8b: {  	v22 =	vadd.f32 v38, v22;
	v33 =	vadd.f32 v37, v33;
	vm8 =	vgt.f32 v28, v2;
	v45 =	vld [tilespmem:$0xCC40];
	v36 =	vpop (erf)  }
0x8c: {  	v32 =	vadd.f32 v35, v32;
	vm9 =	vgt.f32 v29, v3;
	v50 =	vld [tilespmem:$0xCC50];
	v54 =	vpop (erf);
	v12 =	vadd.f32 v36, v12  }
0x8d: {  	v41 =	vld [tilespmem:$0xCC00];
	vm10 =	vgt.f32 v25, v4;
	vm11 =	vgt.f32 v30, v5;
	v40 =	vpop (erf);
	v23 =	vadd.f32 v54, v23  }
0x8e: {  	v42 =	vld [tilespmem:$0xCC80];
	vm12 =	vgt.f32 v16, v6;
	v38 =	vpop (erf);
	v19 =	vadd.f32 v40, v19;
	v12 =	vadd.f32 v55, v12  }
0x8f: {  	v63 =	vld [tilespmem:$0xCC30];
	vm13 =	vgt.f32 v13, v7;
	v56 =	vpop (erf);
	v23 =	vadd.f32 v60, v23;
	v18 =	vadd.f32 v38, v18  }
0x90: {  	v43 =	vld [tilespmem:$0xCC10];
	v27 =	vadd.f32 v56, v27;
	v28 =	vnsel vm8, $0x0, v56;
	v19 =	vadd.f32 v45, v19;
	[tilespmem:$0xCC60] =	vst v12  }
0x91: {  	v47 =	vld [tilespmem:$0xCCC0];
	vm14 =	vgt.f32 v20, v8;
	v57 =	vpop (erf);
	v22 =	vadd.f32 v28, v22;
	[tilespmem:$0xCC20] =	vst v23;
	v18 =	vadd.f32 v50, v18  }
0x92: {  	v44 =	vld [tilespmem:$0xCC90];
	v51 =	vnsel vm12, $0x0, v40;
	v59 =	vpop (erf);
	v26 =	vadd.f32 v57, v26;
	v27 =	vadd.f32 v41, v27;
	[tilespmem:$0xCC40] =	vst v19  }
0x93: {  	v61 =	vld [tilespmem:$0xCCA0];
	v33 =	vadd.f32 v59, v33;
	v31 =	vnsel vm9, $0x0, v59;
	v22 =	vadd.f32 v42, v22;
	[tilespmem:$0xCC50] =	vst v18  }
0x94: {  	v53 =	vld [tilespmem:$0xCCD0];
	v41 =	vnsel vm10, $0x0, v54;
	v54 =	vadd.f32 v51, v17;
	v52 =	vadd.f32 v63, v26;
	[tilespmem:$0xCC00] =	vst v27  }
0x95: {  	v46 =	vnsel vm11, $0x0, v57;
	v57 =	vld [tilespmem:$0xCCE0];
	v62 =	vadd.f32 v31, v58;
	v42 =	vadd.f32 v43, v33;
	[tilespmem:$0xCC80] =	vst v22  }
0x96: {  	v56 =	vnsel vm13, $0x0, v38;
	v59 =	vld [tilespmem:$0xCC70];
	v24 =	vadd.f32 v41, v24;
	v13 =	vadd.f32 v47, v54;
	[tilespmem:$0xCC30] =	vst v52  }
0x97: {  	v60 =	vnsel vm14, $0x0, v36;
	v58 =	vadd.f32 v56, v21;
	v43 =	vld [tilespmem:$0xCCB0];
	v44 =	vadd.f32 v44, v62;
	[tilespmem:$0xCC10] =	vst v42  }
0x98: {  	v14 =	vadd.f32 v60, v14;
	v49 =	vadd.f32 v61, v24;
	v61 =	vld [tilespmem:$0xCCF0];
	[tilespmem:$0xCCC0] =	vst v13  }
0x99: {  	vm15 =	vgt.f32 v15, v9;
	v10 =	vadd.f32 v34, v10;
	v62 =	vadd.f32 v53, v58;
	[tilespmem:$0xCC90] =	vst v44  }
0x9a: {  	v15 =	vnsel vm15, $0x0, v34;
	v48 =	vadd.f32 v46, v32;
	v63 =	vadd.f32 v57, v14;
	[tilespmem:$0xCCA0] =	vst v49  }
0x9b: {  	p1 =	seq.s32 s15, $0x5;
	v11 =	vadd.f32 v15, v11;
	[tilespmem:$0xCCD0] =	vst v62;
	v10 =	vadd.f32 v59, v10  }
.Ltmp5:
0x9c: {  	s16 =	sadd.s32 @!p1 s16, s6;
	[tilespmem:$0xCCE0] =	vst v63;
	v16 =	vadd.f32 v43, v48;
	(pc) =	sbr.rel @p0 .LBB2_8-.Ltmp5, $4  }
0x9d: {  	s16 =	smul.u32 @!p1 $0xC80, s16;
	[tilespmem:$0xCC70] =	vst v10;
	v11 =	vadd.f32 v61, v11  }
0x9e: {  	[tilespmem:$0xCCB0] =	vst v16  }
0x9f: {  	s17 =	simm.s32 @!p1 $0x0;
	s16 =	sadd.s32 @!p1 s2, s16;
	[tilespmem:$0xCCF0] =	vst v11  }
0xa0: {  	[tilespmem:s17], [sflag:$0x1] =	stream.linear.gather @!p1 [hbm4b:s16+s17], $0x6400, $0x38;
	[tilespmem:$0xCE00] =	vst v63  }
0xa1: {  	_ =	swait.ge [sflag:s12], $0x6400  }
0xa2: {  	[sflag:s12] =	ssyncset.done $0x0  }
0xa3: {  	s16 =	simm.s32 $0x0;
	[sflag:s12] =	ssyncadd.s32 $0xFFFF9C00  }
0xa4: {  	v10 =	vld [tilespmem:s16+$0x6470]  }
0xa5: {  	v11 =	vld [tilespmem:s16+$0x6460]  }
0xa6: {  	v12 =	vld [tilespmem:s16+$0x6420]  }
0xa7: {  	v14 =	vld [tilespmem:s16+$0x6440]  }
0xa8: {  	v16 =	vld [tilespmem:s16+$0x6450]  }
0xa9: {  	s31 =	simm.s32 $0x80;
	v18 =	vld [tilespmem:s16+$0x6430]  }
0xaa: {  	v25 =	vld [tilespmem:s31+$0x6420]  }
0xab: {  	v17 =	vld [tilespmem:s16+$0x6400];
	v13 =	vmul.f32 $1.442695020e+00, v10  }
0xac: {  	v15 =	vmul.f32 $1.442695020e+00, v11  }
0xad: {  	v28 =	vld [tilespmem:s31+$0x6400];
	(erf) = vpow2.f32 v13  }
0xae: {  	v22 =	vimm.f32 $0.0e+00;
	v19 =	vmul.f32 $1.442695020e+00, v12;
	v13 =	vld [tilespmem:s16+$0x6410];
	(erf) = vpow2.f32 v15  }
0xaf: {  	v29 =	vld [tilespmem:s31+$0x6410];
	v20 =	vmul.f32 $1.442695020e+00, v14;
	vm1 =	vgt.f32 v18, v5;
	v37 =	vmul.f32 $1.442695020e+00, v25  }
0xb0: {  	v30 =	vld [tilespmem:s31+$0x6430];
	vm2 =	vgt.f32 v17, v2;
	v15 =	vmul.f32 $1.442695020e+00, v16;
	(erf) = vpow2.f32 v19  }
0xb1: {  	vm4 =	vgt.f32 v16, v7;
	v16 =	vld [tilespmem:s31+$0x6440];
	v19 =	vmul.f32 $1.442695020e+00, v17;
	(erf) = vpow2.f32 v20  }
0xb2: {  	vm3 =	vgt.f32 v14, v6;
	v20 =	vmul.f32 $1.442695020e+00, v18;
	(erf) = vpow2.f32 v15;
	v15 =	vld [tilespmem:s31+$0x6470]  }
0xb3: {  	v21 =	vmul.f32 $1.442695020e+00, v13;
	(erf) = vpow2.f32 v19;
	vm0 =	vgt.f32 v13, v3;
	v13 =	vld [tilespmem:s31+$0x6450]  }
0xb4: {  	vm5 =	vgt.f32 v11, v8;
	v36 =	vmul.f32 $1.442695020e+00, v28;
	(erf) = vpow2.f32 v20;
	v20 =	vld [tilespmem:s31+$0x6460]  }
0xb5: {  	vm6 =	vgt.f32 v10, v9;
	v34 =	vmul.f32 $1.442695020e+00, v29;
	v39 =	vmul.f32 $1.442695020e+00, v30  }
0xb6: {  	vm7 =	vgt.f32 v12, v4;
	v32 =	vmul.f32 $1.442695020e+00, v16;
	(erf) = vpow2.f32 v21;
	v11 =	vpop (erf)  }
0xb7: {  	v31 =	vmul.f32 $1.442695020e+00, v15;
	v10 =	vadd.f32 v11, v22;
	v11 =	vnsel vm6, $0x0, v11;
	v14 =	vpop (erf)  }
0xb8: {  	v21 =	vmul.f32 $1.442695020e+00, v13;
	v12 =	vadd.f32 v14, v22;
	v14 =	vnsel vm5, $0x0, v14  }
0xb9: {  	v11 =	vadd.f32 v11, v22;
	v17 =	vpop (erf);
	v27 =	vmul.f32 $1.442695020e+00, v20;
	(erf) = vpow2.f32 v31  }
0xba: {  	v23 =	vadd.f32 v17, v22;
	v17 =	vnsel vm7, $0x0, v17;
	v14 =	vadd.f32 v14, v22;
	v18 =	vpop (erf)  }
0xbb: {  	v24 =	vadd.f32 v17, v22;
	v17 =	vnsel vm3, $0x0, v18;
	v26 =	vpop (erf);
	v19 =	vadd.f32 v18, v22  }
0xbc: {  	(erf) = vpow2.f32 v27;
	v17 =	vadd.f32 v17, v22;
	v33 =	vnsel vm4, $0x0, v26;
	v35 =	vpop (erf)  }
0xbd: {  	v18 =	vadd.f32 v26, v22;
	(erf) = vpow2.f32 v37;
	v27 =	vadd.f32 v35, v22  }
0xbe: {  	v31 =	vpop (erf);
	(erf) = vpow2.f32 v32;
	v38 =	vnsel vm2, $0x0, v35;
	v32 =	vimm.f32 $0.0e+00  }
0xbf: {  	v26 =	vadd.f32 v31, v22;
	v35 =	vnsel vm1, $0x0, v31;
	(erf) = vpow2.f32 v21  }
0xc0: {  	s16 =	simm.s32 $0x400;
	v21 =	vadd.f32 v33, v22;
	v37 =	vpop (erf);
	v33 =	vimm.f32 $0.0e+00;
	v31 =	vimm.f32 $0.0e+00  }
.LBB2_6:
0xc1: {  	s17 =	sshra.s32 s16, $0x2;
	p0 =	sne.s32 s16, $0x18E00;
	s16 =	sadd.s32 $0x200, s16;
	(erf) = vpow2.f32 v36;
	v22 =	vadd.f32 v38, v22;
	v33 =	vadd.f32 v37, v33  }
0xc2: {  	v37 =	vnsel vm0, $0x0, v37;
	v32 =	vadd.f32 v35, v32;
	v36 =	vld [tilespmem:s17+$0x6470];
	(erf) = vpow2.f32 v39  }
0xc3: {  	vm0 =	vgt.f32 v29, v3;
	vm1 =	vgt.f32 v30, v5;
	v31 =	vadd.f32 v37, v31;
	v35 =	vld [tilespmem:s17+$0x6460]  }
0xc4: {  	vm2 =	vgt.f32 v28, v2;
	vm4 =	vgt.f32 v16, v6;
	vm3 =	vgt.f32 v13, v7;
	v13 =	vld [tilespmem:s17+$0x6450]  }
0xc5: {  	vm5 =	vgt.f32 v20, v8;
	vm6 =	vgt.f32 v15, v9;
	v16 =	vld [tilespmem:s17+$0x6440];
	(erf) = vpow2.f32 v34;
	v15 =	vpop (erf)  }
0xc6: {  	vm7 =	vgt.f32 v25, v4;
	v10 =	vadd.f32 v15, v10;
	v28 =	vnsel vm6, $0x0, v15;
	v20 =	vpop (erf)  }
0xc7: {  	v25 =	vld [tilespmem:s17+$0x6420];
	v12 =	vadd.f32 v20, v12;
	v29 =	vnsel vm5, $0x0, v20;
	v11 =	vadd.f32 v28, v11;
	v15 =	vpop (erf)  }
0xc8: {  	v28 =	vld [tilespmem:s17+$0x6400];
	v23 =	vadd.f32 v15, v23;
	v15 =	vnsel vm7, $0x0, v15;
	v14 =	vadd.f32 v29, v14;
	v20 =	vpop (erf)  }
0xc9: {  	v29 =	vld [tilespmem:s17+$0x6410];
	v40 =	vmul.f32 $1.442695020e+00, v13;
	v24 =	vadd.f32 v15, v24;
	v15 =	vnsel vm4, $0x0, v20;
	v34 =	vpop (erf)  }
0xca: {  	v38 =	vmul.f32 $1.442695020e+00, v36;
	v37 =	vmul.f32 $1.442695020e+00, v35;
	v19 =	vadd.f32 v20, v19;
	v39 =	vpop (erf)  }
0xcb: {  	v41 =	vmul.f32 $1.442695020e+00, v16;
	v17 =	vadd.f32 v15, v17;
	v42 =	vnsel vm3, $0x0, v34;
	v30 =	vld [tilespmem:s17+$0x6430];
	v43 =	vpop (erf)  }
.Ltmp6:
0xcc: {  	v20 =	vmovc v35;
	v18 =	vadd.f32 v34, v18;
	v44 =	vmul.f32 $1.442695020e+00, v25;
	(erf) = vpow2.f32 v38;
	v15 =	vmovc v36;
	(pc) =	sbr.rel @p0 .LBB2_6-.Ltmp6, $4  }
0xcd: {  	v27 =	vadd.f32 v39, v27;
	v36 =	vmul.f32 $1.442695020e+00, v28;
	(erf) = vpow2.f32 v37  }
0xce: {  	v26 =	vadd.f32 v43, v26;
	v34 =	vmul.f32 $1.442695020e+00, v29;
	(erf) = vpow2.f32 v44;
	v37 =	vpop (erf)  }
0xcf: {  	v38 =	vnsel vm2, $0x0, v39;
	v35 =	vnsel vm1, $0x0, v43;
	(erf) = vpow2.f32 v41  }
0xd0: {  	v21 =	vadd.f32 v42, v21;
	v39 =	vmul.f32 $1.442695020e+00, v30;
	(erf) = vpow2.f32 v40  }
0xd1: {  	(erf) = vpow2.f32 v36;
	_ =	sdelay $0x1  }
0xd2: {  	v55 =	vnsel vm0, $0x0, v37;
	(erf) = vpow2.f32 v39  }
0xd3: {  	v58 =	vadd.f32 v55, v31;
	v55 =	vld [tilespmem:$0xCC60];
	(erf) = vpow2.f32 v34  }
0xd4: {  	v60 =	vld [tilespmem:$0xCC20];
	v34 =	vpop (erf)  }
0xd5: {  	v22 =	vadd.f32 v38, v22;
	v33 =	vadd.f32 v37, v33;
	vm8 =	vgt.f32 v28, v2;
	v45 =	vld [tilespmem:$0xCC40];
	v36 =	vpop (erf)  }
0xd6: {  	v32 =	vadd.f32 v35, v32;
	vm9 =	vgt.f32 v29, v3;
	v50 =	vld [tilespmem:$0xCC50];
	v54 =	vpop (erf);
	v12 =	vadd.f32 v36, v12  }
0xd7: {  	v41 =	vld [tilespmem:$0xCC00];
	vm10 =	vgt.f32 v25, v4;
	vm11 =	vgt.f32 v30, v5;
	v40 =	vpop (erf);
	v23 =	vadd.f32 v54, v23  }
0xd8: {  	v42 =	vld [tilespmem:$0xCC80];
	vm12 =	vgt.f32 v16, v6;
	v38 =	vpop (erf);
	v19 =	vadd.f32 v40, v19;
	v12 =	vadd.f32 v55, v12  }
0xd9: {  	v63 =	vld [tilespmem:$0xCC30];
	vm13 =	vgt.f32 v13, v7;
	v56 =	vpop (erf);
	v23 =	vadd.f32 v60, v23;
	v18 =	vadd.f32 v38, v18  }
0xda: {  	v43 =	vld [tilespmem:$0xCC10];
	v27 =	vadd.f32 v56, v27;
	v28 =	vnsel vm8, $0x0, v56;
	v19 =	vadd.f32 v45, v19;
	[tilespmem:$0xCC60] =	vst v12  }
0xdb: {  	v47 =	vld [tilespmem:$0xCCC0];
	vm14 =	vgt.f32 v20, v8;
	v57 =	vpop (erf);
	v22 =	vadd.f32 v28, v22;
	[tilespmem:$0xCC20] =	vst v23;
	v18 =	vadd.f32 v50, v18  }
0xdc: {  	v44 =	vld [tilespmem:$0xCC90];
	v51 =	vnsel vm12, $0x0, v40;
	v59 =	vpop (erf);
	v26 =	vadd.f32 v57, v26;
	v27 =	vadd.f32 v41, v27;
	[tilespmem:$0xCC40] =	vst v19  }
0xdd: {  	v61 =	vld [tilespmem:$0xCCA0];
	v33 =	vadd.f32 v59, v33;
	v31 =	vnsel vm9, $0x0, v59;
	v22 =	vadd.f32 v42, v22;
	[tilespmem:$0xCC50] =	vst v18  }
0xde: {  	v53 =	vld [tilespmem:$0xCCD0];
	v41 =	vnsel vm10, $0x0, v54;
	v54 =	vadd.f32 v51, v17;
	v52 =	vadd.f32 v63, v26;
	[tilespmem:$0xCC00] =	vst v27  }
0xdf: {  	v46 =	vnsel vm11, $0x0, v57;
	v57 =	vld [tilespmem:$0xCCE0];
	v62 =	vadd.f32 v31, v58;
	v42 =	vadd.f32 v43, v33;
	[tilespmem:$0xCC80] =	vst v22  }
0xe0: {  	v56 =	vnsel vm13, $0x0, v38;
	v59 =	vld [tilespmem:$0xCC70];
	v24 =	vadd.f32 v41, v24;
	v13 =	vadd.f32 v47, v54;
	[tilespmem:$0xCC30] =	vst v52  }
0xe1: {  	v60 =	vnsel vm14, $0x0, v36;
	v58 =	vadd.f32 v56, v21;
	v43 =	vld [tilespmem:$0xCCB0];
	v44 =	vadd.f32 v44, v62;
	[tilespmem:$0xCC10] =	vst v42  }
0xe2: {  	v14 =	vadd.f32 v60, v14;
	v49 =	vadd.f32 v61, v24;
	v61 =	vld [tilespmem:$0xCCF0];
	[tilespmem:$0xCCC0] =	vst v13  }
0xe3: {  	vm15 =	vgt.f32 v15, v9;
	v10 =	vadd.f32 v34, v10;
	v62 =	vadd.f32 v53, v58;
	[tilespmem:$0xCC90] =	vst v44  }
0xe4: {  	v15 =	vnsel vm15, $0x0, v34;
	v48 =	vadd.f32 v46, v32;
	v63 =	vadd.f32 v57, v14;
	[tilespmem:$0xCCA0] =	vst v49  }
.Ltmp7:
0xe5: {  	v11 =	vadd.f32 v15, v11;
	[tilespmem:$0xCCD0] =	vst v62;
	v10 =	vadd.f32 v59, v10;
	(pc) =	sbr.rel .LBB2_8-.Ltmp7, $4  }
0xe6: {  	[tilespmem:$0xCCE0] =	vst v63;
	v16 =	vadd.f32 v43, v48  }
0xe7: {  	[tilespmem:$0xCC70] =	vst v10;
	v11 =	vadd.f32 v61, v11  }
0xe8: {  	[tilespmem:$0xCCB0] =	vst v16  }
0xe9: {  	[tilespmem:$0xCCF0] =	vst v11  }
.LBB2_10:
0xea: {  	_ =	sfence.sel $0x180000  }
0xeb: {  	[bflag:$0x0] =	sbarrier.arrive $0xFFFF  }
0xec: {  	p0 =	sne.s32 s1, $0x0;
	_ =	strace $0x90000047  }
0xed: {  	s0 =	sadd.s32 @!p0 $0x100000, s0;
	[bflag:$0x2] =	sbarrier.arrive $0xFFFF  }
0xee: {  	[sflag:s0] =	ssyncadd.tile.s32 @!p0 $0x1;
	_ =	shalt  }
.Lfunc_end2:
_tile_overlayer_lowered:
.L_overlay_start_2:
0xef: {  	(tag) =	ssettag $0x2  }
0xf0: {  	s0 =	rddreg [dreg:$0x0];
	s2 =	stileid.u32  }
0xf1: {  	s1 =	rddreg [dreg:$0x1];
	p0 =	sne.s32 s2, $0x0  }
0xf2: {  	s3 =	rddreg [dreg:$0x2];
	[bflag:$0x3] =	sbarrier.arrive $0xFFFF;
	s2 =	simm.s32 @!p0 $0x1C03  }
0xf3: {  	[timem:s3], [sflag:s2] =	dma.local @!p0 [hbm:s0], s1  }
0xf4: {  	s0 =	simm.s32 @!p0 $0x3  }
0xf5: {  	_ =	swait.ge @!p0 [sflag:s0], s1  }
0xf6: {  	s1 =	ssub.s32 @!p0 $0x0, s1;
	[sflag:s0] =	ssyncset.done @!p0 $0x0  }
0xf7: {  	[sflag:s0] =	ssyncadd.s32 @!p0 s1  }
0xf8: {  	[bflag:$0x3] =	sbarrier.arrive $0xFFFF  }
0xf9: {  	_ =	shalt  }

</sc_bundles>
